<compile_context>
chip_gen: v7x
topology: tpu7x:2x2x1
jax: 0.10.2.dev20260603
libtpu: 0.0.44.dev20260713+nightly
codegen_flags: <defaults>
</compile_context>

<pallas_src>
import functools

import jax
import jax.numpy as jnp
from jax import lax
from jax.experimental import pallas as pl
from jax.experimental.pallas import tpu as pltpu
from jax.experimental.pallas import tpu_sc as plsc

_NC, _NS = 2, 16
_NW = _NC * _NS
_CHUNK = 128
_WIDE = 128
_NBUF = 8


@functools.partial(jax.jit, static_argnums=(2, 3, 4))
def _embedding_lookup(tpad, idx2d, n, dp, nch):
    per_w = n // _NW
    mesh = plsc.VectorSubcoreMesh(core_axis_name="c", subcore_axis_name="s")

    @functools.partial(
        pl.kernel,
        out_type=jax.ShapeDtypeStruct((n, _WIDE), tpad.dtype),
        mesh=mesh,
        compiler_params=pltpu.CompilerParams(use_tc_tiling_on_sc=False),
        scratch_types=[
            pltpu.VMEM((nch, _CHUNK), jnp.int32),
        ] + [pltpu.VMEM((_CHUNK, dp), jnp.float32)] * _NBUF
          + [pltpu.SemaphoreType.DMA] * (2 * _NBUF),
    )
    def body(table_hbm, idx_hbm, out_hbm, idx_v, *rest):
        bufs = rest[:_NBUF]
        gsems = rest[_NBUF:2 * _NBUF]
        osems = rest[2 * _NBUF:3 * _NBUF]
        wid = lax.axis_index("s") * _NC + lax.axis_index("c")
        base = wid * per_w

        def out_slab(j):
            return out_hbm.at[pl.ds(base + j * _CHUNK, _CHUNK), pl.ds(0, dp)]

        pltpu.sync_copy(idx_hbm.at[pl.ds(wid * nch, nch)], idx_v)

        for b in range(_NBUF):
            pltpu.async_copy(table_hbm.at[idx_v.at[b]], bufs[b], gsems[b])

        steps = nch // _NBUF

        @pl.loop(0, steps)
        def _(g):
            j0 = g * _NBUF
            for b in range(_NBUF):
                pltpu.make_async_copy(
                    table_hbm.at[idx_v.at[j0 + b]], bufs[b], gsems[b]).wait()
                pltpu.async_copy(bufs[b], out_slab(j0 + b), osems[b])
            for b in range(_NBUF):

                @pl.when(g < steps - 1)
                def _():
                    pltpu.make_async_copy(
                        bufs[b], out_slab(j0 + b), osems[b]).wait()
                    pltpu.async_copy(
                        table_hbm.at[idx_v.at[j0 + b + _NBUF]],
                        bufs[b], gsems[b])

        for b in range(_NBUF):
            pltpu.make_async_copy(
                bufs[b], out_slab(nch - _NBUF + b), osems[b]).wait()

    return body(tpad, idx2d)


def kernel(table, input):
    bsz, seq = input.shape
    v, d = table.shape
    dp = (d + 7) // 8 * 8
    n = bsz * seq
    tpad = jnp.pad(table, ((0, 0), (0, dp - d)))
    idx2d = input.reshape(n // _CHUNK, _CHUNK).astype(jnp.int32)
    nch = (n // _NW) // _CHUNK
    out = _embedding_lookup(tpad, idx2d, n, dp, nch)
    return out[:, :d].reshape(bsz, seq, d)

# --- scband reference (transcript-rebuilt; emitter-appended) ---
"""Pipeline reference for scband-gensim-embedding-6133213299311 (READ-ONLY COPY).

The authoritative reference and input builder live on the scoring server;
editing this copy changes nothing except your own understanding.
"""

import jax, jax.numpy as jnp
import numpy as np

VOCAB = 100000
EMB_DIM = 50
PAD_IDX = 0


def setup_inputs(seed: int = 0) -> dict:
    key = jax.random.key(seed)
    k1, k2 = jax.random.split(key)
    # Pretrained-style embedding table (gensim glove vectors approximated by
    # uniform(-0.5, 0.5) init, matching the module's OOV fallback). PAD row zeroed.
    table = jax.random.uniform(k1, (VOCAB, EMB_DIM), minval=-0.5, maxval=0.5, dtype=jnp.float32)
    table = table.at[PAD_IDX].set(0.0)
    idx = jax.random.randint(k2, (4096, 200), 0, VOCAB, dtype=jnp.int64 if jax.config.read('jax_enable_x64') else jnp.int32)
    return {"table": table, "input": idx}


def reference(table, input):
    # forward: output = self.embs(input)
    return jnp.take(table, input, axis=0)

if __name__ == "__main__":
    import jax
    _d = setup_inputs()
    print(jax.jit(kernel)(*tuple(_d.values())))

</pallas_src>

<mosaic_0001>
#map = affine_map<(d0, d1) -> (0, 0)>
module attributes {stable_mosaic.version = 14 : i64} {
  func.func @body(%arg0: i32, %arg1: i32, %arg2: memref<100000x56xf32, #tpu.memory_space<hbm>>, %arg3: memref<6400x128xi32, #tpu.memory_space<hbm>>, %arg4: memref<819200x128xf32, #tpu.memory_space<hbm>>, %arg5: memref<200x128xi32, #tpu.memory_space<vmem>>, %arg6: memref<128x56xf32, #tpu.memory_space<vmem>>, %arg7: memref<128x56xf32, #tpu.memory_space<vmem>>, %arg8: memref<128x56xf32, #tpu.memory_space<vmem>>, %arg9: memref<128x56xf32, #tpu.memory_space<vmem>>, %arg10: memref<128x56xf32, #tpu.memory_space<vmem>>, %arg11: memref<128x56xf32, #tpu.memory_space<vmem>>, %arg12: memref<128x56xf32, #tpu.memory_space<vmem>>, %arg13: memref<128x56xf32, #tpu.memory_space<vmem>>, %arg14: memref<!tpu.dma_semaphore, #tpu.memory_space<semaphore_mem>>, %arg15: memref<!tpu.dma_semaphore, #tpu.memory_space<semaphore_mem>>, %arg16: memref<!tpu.dma_semaphore, #tpu.memory_space<semaphore_mem>>, %arg17: memref<!tpu.dma_semaphore, #tpu.memory_space<semaphore_mem>>, %arg18: memref<!tpu.dma_semaphore, #tpu.memory_space<semaphore_mem>>, %arg19: memref<!tpu.dma_semaphore, #tpu.memory_space<semaphore_mem>>, %arg20: memref<!tpu.dma_semaphore, #tpu.memory_space<semaphore_mem>>, %arg21: memref<!tpu.dma_semaphore, #tpu.memory_space<semaphore_mem>>, %arg22: memref<!tpu.dma_semaphore, #tpu.memory_space<semaphore_mem>>, %arg23: memref<!tpu.dma_semaphore, #tpu.memory_space<semaphore_mem>>, %arg24: memref<!tpu.dma_semaphore, #tpu.memory_space<semaphore_mem>>, %arg25: memref<!tpu.dma_semaphore, #tpu.memory_space<semaphore_mem>>, %arg26: memref<!tpu.dma_semaphore, #tpu.memory_space<semaphore_mem>>, %arg27: memref<!tpu.dma_semaphore, #tpu.memory_space<semaphore_mem>>, %arg28: memref<!tpu.dma_semaphore, #tpu.memory_space<semaphore_mem>>, %arg29: memref<!tpu.dma_semaphore, #tpu.memory_space<semaphore_mem>>) attributes {dimension_semantics = [#tpu.dimension_semantics<core_parallel>, #tpu.dimension_semantics<subcore_parallel>], iteration_bounds = array<i64: 2, 16>, scalar_prefetch = 0 : i64, scratch_operands = 25 : i64, tpu.core_type = #tpu.core_type<sc_vector_subcore>, window_params = [{transform_indices = #map}, {transform_indices = #map}, {transform_indices = #map}]} {
    %mul3A = arith.constant 2 : i32
    %mul3A_0 = arith.muli %arg1, %mul3A : i32
    %add3A = arith.addi %mul3A_0, %arg0 : i32
    %mul3A_1 = arith.constant 25600 : i32
    %mul3A_2 = arith.muli %add3A, %mul3A_1 : i32
    %mul3A_3 = arith.constant 200 : i32
    %mul3A_4 = arith.muli %add3A, %mul3A_3 : i32
    "tpu.region"() ({
      %run_scoped3A = tpu.sem_alloc : memref<!tpu.dma_semaphore, #tpu.memory_space<semaphore_mem>>
      %dma_start3A_111 = arith.constant 0 : i32
      %dma_start3A_112 = tpu.memref_slice %arg3[%mul3A_4, %dma_start3A_111] : memref<6400x128xi32, #tpu.memory_space<hbm>> -> memref<200x128xi32, #tpu.memory_space<hbm>>
      %dma_start3A_113 = arith.constant 0 : i32
      %dma_start3A_114 = tpu.memref_slice %arg3[%mul3A_4, %dma_start3A_113] : memref<6400x128xi32, #tpu.memory_space<hbm>> -> memref<200x128xi32, #tpu.memory_space<hbm>>
      tpu.enqueue_dma source(%dma_start3A_114 : memref<200x128xi32, #tpu.memory_space<hbm>>) target(%arg5 : memref<200x128xi32, #tpu.memory_space<vmem>>) target_semaphore(%run_scoped3A : memref<!tpu.dma_semaphore, #tpu.memory_space<semaphore_mem>>)
      %dma_wait3A_115 = arith.constant 0 : i32
      %dma_wait3A_116 = tpu.memref_slice %arg3[%mul3A_4, %dma_wait3A_115] : memref<6400x128xi32, #tpu.memory_space<hbm>> -> memref<200x128xi32, #tpu.memory_space<hbm>>
      %dma_wait3A_117 = arith.constant 0 : i32
      %dma_wait3A_118 = tpu.memref_slice %arg3[%mul3A_4, %dma_wait3A_117] : memref<6400x128xi32, #tpu.memory_space<hbm>> -> memref<200x128xi32, #tpu.memory_space<hbm>>
      tpu.wait_dma2 semaphore(%run_scoped3A : memref<!tpu.dma_semaphore, #tpu.memory_space<semaphore_mem>>) src(%dma_wait3A_118 : memref<200x128xi32, #tpu.memory_space<hbm>>) dst(%arg5 : memref<200x128xi32, #tpu.memory_space<vmem>>)
      tpu.yield
    }) : () -> ()
    %dma_start3A = arith.constant 0 : i32
    %dma_start3A_5 = arith.constant 0 : i32
    %dma_start3A_6 = tpu.memref_slice %arg5[%dma_start3A, %dma_start3A_5] : memref<200x128xi32, #tpu.memory_space<vmem>> -> memref<1x128xi32, #tpu.memory_space<vmem>>
    %dma_start3A_7 = tpu.memref_squeeze %dma_start3A_6 : memref<1x128xi32, #tpu.memory_space<vmem>> -> memref<128xi32, #tpu.memory_space<vmem>>
    %dma_start3A_8 = arith.constant 0 : i32
    %dma_start3A_9 = arith.constant 0 : i32
    %dma_start3A_10 = tpu.memref_slice %arg2[%dma_start3A_8, %dma_start3A_9] : memref<100000x56xf32, #tpu.memory_space<hbm>> -> memref<100000x56xf32, #tpu.memory_space<hbm>>
    tpu.enqueue_indirect_dma source(%dma_start3A_10 : memref<100000x56xf32, #tpu.memory_space<hbm>>) target(%arg6 : memref<128x56xf32, #tpu.memory_space<vmem>>) offsets(%dma_start3A_7 : memref<128xi32, #tpu.memory_space<vmem>>) semaphore(%arg14 : memref<!tpu.dma_semaphore, #tpu.memory_space<semaphore_mem>>)
    %dma_start3A_11 = arith.constant 1 : i32
    %dma_start3A_12 = arith.constant 0 : i32
    %dma_start3A_13 = tpu.memref_slice %arg5[%dma_start3A_11, %dma_start3A_12] : memref<200x128xi32, #tpu.memory_space<vmem>> -> memref<1x128xi32, #tpu.memory_space<vmem>>
    %dma_start3A_14 = tpu.memref_squeeze %dma_start3A_13 : memref<1x128xi32, #tpu.memory_space<vmem>> -> memref<128xi32, #tpu.memory_space<vmem>>
    %dma_start3A_15 = arith.constant 0 : i32
    %dma_start3A_16 = arith.constant 0 : i32
    %dma_start3A_17 = tpu.memref_slice %arg2[%dma_start3A_15, %dma_start3A_16] : memref<100000x56xf32, #tpu.memory_space<hbm>> -> memref<100000x56xf32, #tpu.memory_space<hbm>>
    tpu.enqueue_indirect_dma source(%dma_start3A_17 : memref<100000x56xf32, #tpu.memory_space<hbm>>) target(%arg7 : memref<128x56xf32, #tpu.memory_space<vmem>>) offsets(%dma_start3A_14 : memref<128xi32, #tpu.memory_space<vmem>>) semaphore(%arg15 : memref<!tpu.dma_semaphore, #tpu.memory_space<semaphore_mem>>)
    %dma_start3A_18 = arith.constant 2 : i32
    %dma_start3A_19 = arith.constant 0 : i32
    %dma_start3A_20 = tpu.memref_slice %arg5[%dma_start3A_18, %dma_start3A_19] : memref<200x128xi32, #tpu.memory_space<vmem>> -> memref<1x128xi32, #tpu.memory_space<vmem>>
    %dma_start3A_21 = tpu.memref_squeeze %dma_start3A_20 : memref<1x128xi32, #tpu.memory_space<vmem>> -> memref<128xi32, #tpu.memory_space<vmem>>
    %dma_start3A_22 = arith.constant 0 : i32
    %dma_start3A_23 = arith.constant 0 : i32
    %dma_start3A_24 = tpu.memref_slice %arg2[%dma_start3A_22, %dma_start3A_23] : memref<100000x56xf32, #tpu.memory_space<hbm>> -> memref<100000x56xf32, #tpu.memory_space<hbm>>
    tpu.enqueue_indirect_dma source(%dma_start3A_24 : memref<100000x56xf32, #tpu.memory_space<hbm>>) target(%arg8 : memref<128x56xf32, #tpu.memory_space<vmem>>) offsets(%dma_start3A_21 : memref<128xi32, #tpu.memory_space<vmem>>) semaphore(%arg16 : memref<!tpu.dma_semaphore, #tpu.memory_space<semaphore_mem>>)
    %dma_start3A_25 = arith.constant 3 : i32
    %dma_start3A_26 = arith.constant 0 : i32
    %dma_start3A_27 = tpu.memref_slice %arg5[%dma_start3A_25, %dma_start3A_26] : memref<200x128xi32, #tpu.memory_space<vmem>> -> memref<1x128xi32, #tpu.memory_space<vmem>>
    %dma_start3A_28 = tpu.memref_squeeze %dma_start3A_27 : memref<1x128xi32, #tpu.memory_space<vmem>> -> memref<128xi32, #tpu.memory_space<vmem>>
    %dma_start3A_29 = arith.constant 0 : i32
    %dma_start3A_30 = arith.constant 0 : i32
    %dma_start3A_31 = tpu.memref_slice %arg2[%dma_start3A_29, %dma_start3A_30] : memref<100000x56xf32, #tpu.memory_space<hbm>> -> memref<100000x56xf32, #tpu.memory_space<hbm>>
    tpu.enqueue_indirect_dma source(%dma_start3A_31 : memref<100000x56xf32, #tpu.memory_space<hbm>>) target(%arg9 : memref<128x56xf32, #tpu.memory_space<vmem>>) offsets(%dma_start3A_28 : memref<128xi32, #tpu.memory_space<vmem>>) semaphore(%arg17 : memref<!tpu.dma_semaphore, #tpu.memory_space<semaphore_mem>>)
    %dma_start3A_32 = arith.constant 4 : i32
    %dma_start3A_33 = arith.constant 0 : i32
    %dma_start3A_34 = tpu.memref_slice %arg5[%dma_start3A_32, %dma_start3A_33] : memref<200x128xi32, #tpu.memory_space<vmem>> -> memref<1x128xi32, #tpu.memory_space<vmem>>
    %dma_start3A_35 = tpu.memref_squeeze %dma_start3A_34 : memref<1x128xi32, #tpu.memory_space<vmem>> -> memref<128xi32, #tpu.memory_space<vmem>>
    %dma_start3A_36 = arith.constant 0 : i32
    %dma_start3A_37 = arith.constant 0 : i32
    %dma_start3A_38 = tpu.memref_slice %arg2[%dma_start3A_36, %dma_start3A_37] : memref<100000x56xf32, #tpu.memory_space<hbm>> -> memref<100000x56xf32, #tpu.memory_space<hbm>>
    tpu.enqueue_indirect_dma source(%dma_start3A_38 : memref<100000x56xf32, #tpu.memory_space<hbm>>) target(%arg10 : memref<128x56xf32, #tpu.memory_space<vmem>>) offsets(%dma_start3A_35 : memref<128xi32, #tpu.memory_space<vmem>>) semaphore(%arg18 : memref<!tpu.dma_semaphore, #tpu.memory_space<semaphore_mem>>)
    %dma_start3A_39 = arith.constant 5 : i32
    %dma_start3A_40 = arith.constant 0 : i32
    %dma_start3A_41 = tpu.memref_slice %arg5[%dma_start3A_39, %dma_start3A_40] : memref<200x128xi32, #tpu.memory_space<vmem>> -> memref<1x128xi32, #tpu.memory_space<vmem>>
    %dma_start3A_42 = tpu.memref_squeeze %dma_start3A_41 : memref<1x128xi32, #tpu.memory_space<vmem>> -> memref<128xi32, #tpu.memory_space<vmem>>
    %dma_start3A_43 = arith.constant 0 : i32
    %dma_start3A_44 = arith.constant 0 : i32
    %dma_start3A_45 = tpu.memref_slice %arg2[%dma_start3A_43, %dma_start3A_44] : memref<100000x56xf32, #tpu.memory_space<hbm>> -> memref<100000x56xf32, #tpu.memory_space<hbm>>
    tpu.enqueue_indirect_dma source(%dma_start3A_45 : memref<100000x56xf32, #tpu.memory_space<hbm>>) target(%arg11 : memref<128x56xf32, #tpu.memory_space<vmem>>) offsets(%dma_start3A_42 : memref<128xi32, #tpu.memory_space<vmem>>) semaphore(%arg19 : memref<!tpu.dma_semaphore, #tpu.memory_space<semaphore_mem>>)
    %dma_start3A_46 = arith.constant 6 : i32
    %dma_start3A_47 = arith.constant 0 : i32
    %dma_start3A_48 = tpu.memref_slice %arg5[%dma_start3A_46, %dma_start3A_47] : memref<200x128xi32, #tpu.memory_space<vmem>> -> memref<1x128xi32, #tpu.memory_space<vmem>>
    %dma_start3A_49 = tpu.memref_squeeze %dma_start3A_48 : memref<1x128xi32, #tpu.memory_space<vmem>> -> memref<128xi32, #tpu.memory_space<vmem>>
    %dma_start3A_50 = arith.constant 0 : i32
    %dma_start3A_51 = arith.constant 0 : i32
    %dma_start3A_52 = tpu.memref_slice %arg2[%dma_start3A_50, %dma_start3A_51] : memref<100000x56xf32, #tpu.memory_space<hbm>> -> memref<100000x56xf32, #tpu.memory_space<hbm>>
    tpu.enqueue_indirect_dma source(%dma_start3A_52 : memref<100000x56xf32, #tpu.memory_space<hbm>>) target(%arg12 : memref<128x56xf32, #tpu.memory_space<vmem>>) offsets(%dma_start3A_49 : memref<128xi32, #tpu.memory_space<vmem>>) semaphore(%arg20 : memref<!tpu.dma_semaphore, #tpu.memory_space<semaphore_mem>>)
    %dma_start3A_53 = arith.constant 7 : i32
    %dma_start3A_54 = arith.constant 0 : i32
    %dma_start3A_55 = tpu.memref_slice %arg5[%dma_start3A_53, %dma_start3A_54] : memref<200x128xi32, #tpu.memory_space<vmem>> -> memref<1x128xi32, #tpu.memory_space<vmem>>
    %dma_start3A_56 = tpu.memref_squeeze %dma_start3A_55 : memref<1x128xi32, #tpu.memory_space<vmem>> -> memref<128xi32, #tpu.memory_space<vmem>>
    %dma_start3A_57 = arith.constant 0 : i32
    %dma_start3A_58 = arith.constant 0 : i32
    %dma_start3A_59 = tpu.memref_slice %arg2[%dma_start3A_57, %dma_start3A_58] : memref<100000x56xf32, #tpu.memory_space<hbm>> -> memref<100000x56xf32, #tpu.memory_space<hbm>>
    tpu.enqueue_indirect_dma source(%dma_start3A_59 : memref<100000x56xf32, #tpu.memory_space<hbm>>) target(%arg13 : memref<128x56xf32, #tpu.memory_space<vmem>>) offsets(%dma_start3A_56 : memref<128xi32, #tpu.memory_space<vmem>>) semaphore(%arg21 : memref<!tpu.dma_semaphore, #tpu.memory_space<semaphore_mem>>)
    %scan3A = arith.constant 0 : i32
    %scan3A_60 = arith.constant 25 : i32
    %scan3A_61 = arith.addi %scan3A, %scan3A_60 : i32
    %scan3A_62 = arith.constant 1 : i32
    scf.for %scan3A_111 = %scan3A to %scan3A_61 step %scan3A_62  : i32 {
      %mul3A_112 = arith.constant 1 : i32
      %mul3A_113 = arith.muli %scan3A_111, %mul3A_112 : i32
      %add3A_114 = arith.constant 0 : i32
      %add3A_115 = arith.addi %add3A_114, %mul3A_113 : i32
      %mul3A_116 = arith.constant 8 : i32
      %mul3A_117 = arith.muli %add3A_115, %mul3A_116 : i32
      %add3A_118 = arith.constant 0 : i32
      %add3A_119 = arith.addi %mul3A_117, %add3A_118 : i32
      %dma_wait3A_120 = arith.constant 0 : i32
      %dma_wait3A_121 = tpu.memref_slice %arg5[%add3A_119, %dma_wait3A_120] : memref<200x128xi32, #tpu.memory_space<vmem>> -> memref<1x128xi32, #tpu.memory_space<vmem>>
      %dma_wait3A_122 = tpu.memref_squeeze %dma_wait3A_121 : memref<1x128xi32, #tpu.memory_space<vmem>> -> memref<128xi32, #tpu.memory_space<vmem>>
      %dma_wait3A_123 = arith.constant 0 : i32
      %dma_wait3A_124 = arith.constant 0 : i32
      %dma_wait3A_125 = tpu.memref_slice %arg2[%dma_wait3A_123, %dma_wait3A_124] : memref<100000x56xf32, #tpu.memory_space<hbm>> -> memref<100000x56xf32, #tpu.memory_space<hbm>>
      tpu.wait_indirect_dma semaphore(%arg14 : memref<!tpu.dma_semaphore, #tpu.memory_space<semaphore_mem>>) src(%dma_wait3A_125 : memref<100000x56xf32, #tpu.memory_space<hbm>>) dst(%arg6 : memref<128x56xf32, #tpu.memory_space<vmem>>)
      %add3A_126 = arith.constant 0 : i32
      %add3A_127 = arith.addi %mul3A_117, %add3A_126 : i32
      %mul3A_128 = arith.constant 128 : i32
      %mul3A_129 = arith.muli %add3A_127, %mul3A_128 : i32
      %add3A_130 = arith.addi %mul3A_2, %mul3A_129 : i32
      %dma_start3A_131 = arith.constant 0 : i32
      %dma_start3A_132 = tpu.memref_slice %arg4[%add3A_130, %dma_start3A_131] : memref<819200x128xf32, #tpu.memory_space<hbm>> -> memref<128x56xf32, #tpu.memory_space<hbm>>
      %dma_start3A_133 = arith.constant 0 : i32
      %dma_start3A_134 = tpu.memref_slice %arg4[%add3A_130, %dma_start3A_133] : memref<819200x128xf32, #tpu.memory_space<hbm>> -> memref<128x56xf32, #tpu.memory_space<hbm>>
      tpu.enqueue_dma source(%arg6 : memref<128x56xf32, #tpu.memory_space<vmem>>) target(%dma_start3A_134 : memref<128x56xf32, #tpu.memory_space<hbm>>) target_semaphore(%arg22 : memref<!tpu.dma_semaphore, #tpu.memory_space<semaphore_mem>>)
      %add3A_135 = arith.constant 1 : i32
      %add3A_136 = arith.addi %mul3A_117, %add3A_135 : i32
      %dma_wait3A_137 = arith.constant 0 : i32
      %dma_wait3A_138 = tpu.memref_slice %arg5[%add3A_136, %dma_wait3A_137] : memref<200x128xi32, #tpu.memory_space<vmem>> -> memref<1x128xi32, #tpu.memory_space<vmem>>
      %dma_wait3A_139 = tpu.memref_squeeze %dma_wait3A_138 : memref<1x128xi32, #tpu.memory_space<vmem>> -> memref<128xi32, #tpu.memory_space<vmem>>
      %dma_wait3A_140 = arith.constant 0 : i32
      %dma_wait3A_141 = arith.constant 0 : i32
      %dma_wait3A_142 = tpu.memref_slice %arg2[%dma_wait3A_140, %dma_wait3A_141] : memref<100000x56xf32, #tpu.memory_space<hbm>> -> memref<100000x56xf32, #tpu.memory_space<hbm>>
      tpu.wait_indirect_dma semaphore(%arg15 : memref<!tpu.dma_semaphore, #tpu.memory_space<semaphore_mem>>) src(%dma_wait3A_142 : memref<100000x56xf32, #tpu.memory_space<hbm>>) dst(%arg7 : memref<128x56xf32, #tpu.memory_space<vmem>>)
      %add3A_143 = arith.constant 1 : i32
      %add3A_144 = arith.addi %mul3A_117, %add3A_143 : i32
      %mul3A_145 = arith.constant 128 : i32
      %mul3A_146 = arith.muli %add3A_144, %mul3A_145 : i32
      %add3A_147 = arith.addi %mul3A_2, %mul3A_146 : i32
      %dma_start3A_148 = arith.constant 0 : i32
      %dma_start3A_149 = tpu.memref_slice %arg4[%add3A_147, %dma_start3A_148] : memref<819200x128xf32, #tpu.memory_space<hbm>> -> memref<128x56xf32, #tpu.memory_space<hbm>>
      %dma_start3A_150 = arith.constant 0 : i32
      %dma_start3A_151 = tpu.memref_slice %arg4[%add3A_147, %dma_start3A_150] : memref<819200x128xf32, #tpu.memory_space<hbm>> -> memref<128x56xf32, #tpu.memory_space<hbm>>
      tpu.enqueue_dma source(%arg7 : memref<128x56xf32, #tpu.memory_space<vmem>>) target(%dma_start3A_151 : memref<128x56xf32, #tpu.memory_space<hbm>>) target_semaphore(%arg23 : memref<!tpu.dma_semaphore, #tpu.memory_space<semaphore_mem>>)
      %add3A_152 = arith.constant 2 : i32
      %add3A_153 = arith.addi %mul3A_117, %add3A_152 : i32
      %dma_wait3A_154 = arith.constant 0 : i32
      %dma_wait3A_155 = tpu.memref_slice %arg5[%add3A_153, %dma_wait3A_154] : memref<200x128xi32, #tpu.memory_space<vmem>> -> memref<1x128xi32, #tpu.memory_space<vmem>>
      %dma_wait3A_156 = tpu.memref_squeeze %dma_wait3A_155 : memref<1x128xi32, #tpu.memory_space<vmem>> -> memref<128xi32, #tpu.memory_space<vmem>>
      %dma_wait3A_157 = arith.constant 0 : i32
      %dma_wait3A_158 = arith.constant 0 : i32
      %dma_wait3A_159 = tpu.memref_slice %arg2[%dma_wait3A_157, %dma_wait3A_158] : memref<100000x56xf32, #tpu.memory_space<hbm>> -> memref<100000x56xf32, #tpu.memory_space<hbm>>
      tpu.wait_indirect_dma semaphore(%arg16 : memref<!tpu.dma_semaphore, #tpu.memory_space<semaphore_mem>>) src(%dma_wait3A_159 : memref<100000x56xf32, #tpu.memory_space<hbm>>) dst(%arg8 : memref<128x56xf32, #tpu.memory_space<vmem>>)
      %add3A_160 = arith.constant 2 : i32
      %add3A_161 = arith.addi %mul3A_117, %add3A_160 : i32
      %mul3A_162 = arith.constant 128 : i32
      %mul3A_163 = arith.muli %add3A_161, %mul3A_162 : i32
      %add3A_164 = arith.addi %mul3A_2, %mul3A_163 : i32
      %dma_start3A_165 = arith.constant 0 : i32
      %dma_start3A_166 = tpu.memref_slice %arg4[%add3A_164, %dma_start3A_165] : memref<819200x128xf32, #tpu.memory_space<hbm>> -> memref<128x56xf32, #tpu.memory_space<hbm>>
      %dma_start3A_167 = arith.constant 0 : i32
      %dma_start3A_168 = tpu.memref_slice %arg4[%add3A_164, %dma_start3A_167] : memref<819200x128xf32, #tpu.memory_space<hbm>> -> memref<128x56xf32, #tpu.memory_space<hbm>>
      tpu.enqueue_dma source(%arg8 : memref<128x56xf32, #tpu.memory_space<vmem>>) target(%dma_start3A_168 : memref<128x56xf32, #tpu.memory_space<hbm>>) target_semaphore(%arg24 : memref<!tpu.dma_semaphore, #tpu.memory_space<semaphore_mem>>)
      %add3A_169 = arith.constant 3 : i32
      %add3A_170 = arith.addi %mul3A_117, %add3A_169 : i32
      %dma_wait3A_171 = arith.constant 0 : i32
      %dma_wait3A_172 = tpu.memref_slice %arg5[%add3A_170, %dma_wait3A_171] : memref<200x128xi32, #tpu.memory_space<vmem>> -> memref<1x128xi32, #tpu.memory_space<vmem>>
      %dma_wait3A_173 = tpu.memref_squeeze %dma_wait3A_172 : memref<1x128xi32, #tpu.memory_space<vmem>> -> memref<128xi32, #tpu.memory_space<vmem>>
      %dma_wait3A_174 = arith.constant 0 : i32
      %dma_wait3A_175 = arith.constant 0 : i32
      %dma_wait3A_176 = tpu.memref_slice %arg2[%dma_wait3A_174, %dma_wait3A_175] : memref<100000x56xf32, #tpu.memory_space<hbm>> -> memref<100000x56xf32, #tpu.memory_space<hbm>>
      tpu.wait_indirect_dma semaphore(%arg17 : memref<!tpu.dma_semaphore, #tpu.memory_space<semaphore_mem>>) src(%dma_wait3A_176 : memref<100000x56xf32, #tpu.memory_space<hbm>>) dst(%arg9 : memref<128x56xf32, #tpu.memory_space<vmem>>)
      %add3A_177 = arith.constant 3 : i32
      %add3A_178 = arith.addi %mul3A_117, %add3A_177 : i32
      %mul3A_179 = arith.constant 128 : i32
      %mul3A_180 = arith.muli %add3A_178, %mul3A_179 : i32
      %add3A_181 = arith.addi %mul3A_2, %mul3A_180 : i32
      %dma_start3A_182 = arith.constant 0 : i32
      %dma_start3A_183 = tpu.memref_slice %arg4[%add3A_181, %dma_start3A_182] : memref<819200x128xf32, #tpu.memory_space<hbm>> -> memref<128x56xf32, #tpu.memory_space<hbm>>
      %dma_start3A_184 = arith.constant 0 : i32
      %dma_start3A_185 = tpu.memref_slice %arg4[%add3A_181, %dma_start3A_184] : memref<819200x128xf32, #tpu.memory_space<hbm>> -> memref<128x56xf32, #tpu.memory_space<hbm>>
      tpu.enqueue_dma source(%arg9 : memref<128x56xf32, #tpu.memory_space<vmem>>) target(%dma_start3A_185 : memref<128x56xf32, #tpu.memory_space<hbm>>) target_semaphore(%arg25 : memref<!tpu.dma_semaphore, #tpu.memory_space<semaphore_mem>>)
      %add3A_186 = arith.constant 4 : i32
      %add3A_187 = arith.addi %mul3A_117, %add3A_186 : i32
      %dma_wait3A_188 = arith.constant 0 : i32
      %dma_wait3A_189 = tpu.memref_slice %arg5[%add3A_187, %dma_wait3A_188] : memref<200x128xi32, #tpu.memory_space<vmem>> -> memref<1x128xi32, #tpu.memory_space<vmem>>
      %dma_wait3A_190 = tpu.memref_squeeze %dma_wait3A_189 : memref<1x128xi32, #tpu.memory_space<vmem>> -> memref<128xi32, #tpu.memory_space<vmem>>
      %dma_wait3A_191 = arith.constant 0 : i32
      %dma_wait3A_192 = arith.constant 0 : i32
      %dma_wait3A_193 = tpu.memref_slice %arg2[%dma_wait3A_191, %dma_wait3A_192] : memref<100000x56xf32, #tpu.memory_space<hbm>> -> memref<100000x56xf32, #tpu.memory_space<hbm>>
      tpu.wait_indirect_dma semaphore(%arg18 : memref<!tpu.dma_semaphore, #tpu.memory_space<semaphore_mem>>) src(%dma_wait3A_193 : memref<100000x56xf32, #tpu.memory_space<hbm>>) dst(%arg10 : memref<128x56xf32, #tpu.memory_space<vmem>>)
      %add3A_194 = arith.constant 4 : i32
      %add3A_195 = arith.addi %mul3A_117, %add3A_194 : i32
      %mul3A_196 = arith.constant 128 : i32
      %mul3A_197 = arith.muli %add3A_195, %mul3A_196 : i32
      %add3A_198 = arith.addi %mul3A_2, %mul3A_197 : i32
      %dma_start3A_199 = arith.constant 0 : i32
      %dma_start3A_200 = tpu.memref_slice %arg4[%add3A_198, %dma_start3A_199] : memref<819200x128xf32, #tpu.memory_space<hbm>> -> memref<128x56xf32, #tpu.memory_space<hbm>>
      %dma_start3A_201 = arith.constant 0 : i32
      %dma_start3A_202 = tpu.memref_slice %arg4[%add3A_198, %dma_start3A_201] : memref<819200x128xf32, #tpu.memory_space<hbm>> -> memref<128x56xf32, #tpu.memory_space<hbm>>
      tpu.enqueue_dma source(%arg10 : memref<128x56xf32, #tpu.memory_space<vmem>>) target(%dma_start3A_202 : memref<128x56xf32, #tpu.memory_space<hbm>>) target_semaphore(%arg26 : memref<!tpu.dma_semaphore, #tpu.memory_space<semaphore_mem>>)
      %add3A_203 = arith.constant 5 : i32
      %add3A_204 = arith.addi %mul3A_117, %add3A_203 : i32
      %dma_wait3A_205 = arith.constant 0 : i32
      %dma_wait3A_206 = tpu.memref_slice %arg5[%add3A_204, %dma_wait3A_205] : memref<200x128xi32, #tpu.memory_space<vmem>> -> memref<1x128xi32, #tpu.memory_space<vmem>>
      %dma_wait3A_207 = tpu.memref_squeeze %dma_wait3A_206 : memref<1x128xi32, #tpu.memory_space<vmem>> -> memref<128xi32, #tpu.memory_space<vmem>>
      %dma_wait3A_208 = arith.constant 0 : i32
      %dma_wait3A_209 = arith.constant 0 : i32
      %dma_wait3A_210 = tpu.memref_slice %arg2[%dma_wait3A_208, %dma_wait3A_209] : memref<100000x56xf32, #tpu.memory_space<hbm>> -> memref<100000x56xf32, #tpu.memory_space<hbm>>
      tpu.wait_indirect_dma semaphore(%arg19 : memref<!tpu.dma_semaphore, #tpu.memory_space<semaphore_mem>>) src(%dma_wait3A_210 : memref<100000x56xf32, #tpu.memory_space<hbm>>) dst(%arg11 : memref<128x56xf32, #tpu.memory_space<vmem>>)
      %add3A_211 = arith.constant 5 : i32
      %add3A_212 = arith.addi %mul3A_117, %add3A_211 : i32
      %mul3A_213 = arith.constant 128 : i32
      %mul3A_214 = arith.muli %add3A_212, %mul3A_213 : i32
      %add3A_215 = arith.addi %mul3A_2, %mul3A_214 : i32
      %dma_start3A_216 = arith.constant 0 : i32
      %dma_start3A_217 = tpu.memref_slice %arg4[%add3A_215, %dma_start3A_216] : memref<819200x128xf32, #tpu.memory_space<hbm>> -> memref<128x56xf32, #tpu.memory_space<hbm>>
      %dma_start3A_218 = arith.constant 0 : i32
      %dma_start3A_219 = tpu.memref_slice %arg4[%add3A_215, %dma_start3A_218] : memref<819200x128xf32, #tpu.memory_space<hbm>> -> memref<128x56xf32, #tpu.memory_space<hbm>>
      tpu.enqueue_dma source(%arg11 : memref<128x56xf32, #tpu.memory_space<vmem>>) target(%dma_start3A_219 : memref<128x56xf32, #tpu.memory_space<hbm>>) target_semaphore(%arg27 : memref<!tpu.dma_semaphore, #tpu.memory_space<semaphore_mem>>)
      %add3A_220 = arith.constant 6 : i32
      %add3A_221 = arith.addi %mul3A_117, %add3A_220 : i32
      %dma_wait3A_222 = arith.constant 0 : i32
      %dma_wait3A_223 = tpu.memref_slice %arg5[%add3A_221, %dma_wait3A_222] : memref<200x128xi32, #tpu.memory_space<vmem>> -> memref<1x128xi32, #tpu.memory_space<vmem>>
      %dma_wait3A_224 = tpu.memref_squeeze %dma_wait3A_223 : memref<1x128xi32, #tpu.memory_space<vmem>> -> memref<128xi32, #tpu.memory_space<vmem>>
      %dma_wait3A_225 = arith.constant 0 : i32
      %dma_wait3A_226 = arith.constant 0 : i32
      %dma_wait3A_227 = tpu.memref_slice %arg2[%dma_wait3A_225, %dma_wait3A_226] : memref<100000x56xf32, #tpu.memory_space<hbm>> -> memref<100000x56xf32, #tpu.memory_space<hbm>>
      tpu.wait_indirect_dma semaphore(%arg20 : memref<!tpu.dma_semaphore, #tpu.memory_space<semaphore_mem>>) src(%dma_wait3A_227 : memref<100000x56xf32, #tpu.memory_space<hbm>>) dst(%arg12 : memref<128x56xf32, #tpu.memory_space<vmem>>)
      %add3A_228 = arith.constant 6 : i32
      %add3A_229 = arith.addi %mul3A_117, %add3A_228 : i32
      %mul3A_230 = arith.constant 128 : i32
      %mul3A_231 = arith.muli %add3A_229, %mul3A_230 : i32
      %add3A_232 = arith.addi %mul3A_2, %mul3A_231 : i32
      %dma_start3A_233 = arith.constant 0 : i32
      %dma_start3A_234 = tpu.memref_slice %arg4[%add3A_232, %dma_start3A_233] : memref<819200x128xf32, #tpu.memory_space<hbm>> -> memref<128x56xf32, #tpu.memory_space<hbm>>
      %dma_start3A_235 = arith.constant 0 : i32
      %dma_start3A_236 = tpu.memref_slice %arg4[%add3A_232, %dma_start3A_235] : memref<819200x128xf32, #tpu.memory_space<hbm>> -> memref<128x56xf32, #tpu.memory_space<hbm>>
      tpu.enqueue_dma source(%arg12 : memref<128x56xf32, #tpu.memory_space<vmem>>) target(%dma_start3A_236 : memref<128x56xf32, #tpu.memory_space<hbm>>) target_semaphore(%arg28 : memref<!tpu.dma_semaphore, #tpu.memory_space<semaphore_mem>>)
      %add3A_237 = arith.constant 7 : i32
      %add3A_238 = arith.addi %mul3A_117, %add3A_237 : i32
      %dma_wait3A_239 = arith.constant 0 : i32
      %dma_wait3A_240 = tpu.memref_slice %arg5[%add3A_238, %dma_wait3A_239] : memref<200x128xi32, #tpu.memory_space<vmem>> -> memref<1x128xi32, #tpu.memory_space<vmem>>
      %dma_wait3A_241 = tpu.memref_squeeze %dma_wait3A_240 : memref<1x128xi32, #tpu.memory_space<vmem>> -> memref<128xi32, #tpu.memory_space<vmem>>
      %dma_wait3A_242 = arith.constant 0 : i32
      %dma_wait3A_243 = arith.constant 0 : i32
      %dma_wait3A_244 = tpu.memref_slice %arg2[%dma_wait3A_242, %dma_wait3A_243] : memref<100000x56xf32, #tpu.memory_space<hbm>> -> memref<100000x56xf32, #tpu.memory_space<hbm>>
      tpu.wait_indirect_dma semaphore(%arg21 : memref<!tpu.dma_semaphore, #tpu.memory_space<semaphore_mem>>) src(%dma_wait3A_244 : memref<100000x56xf32, #tpu.memory_space<hbm>>) dst(%arg13 : memref<128x56xf32, #tpu.memory_space<vmem>>)
      %add3A_245 = arith.constant 7 : i32
      %add3A_246 = arith.addi %mul3A_117, %add3A_245 : i32
      %mul3A_247 = arith.constant 128 : i32
      %mul3A_248 = arith.muli %add3A_246, %mul3A_247 : i32
      %add3A_249 = arith.addi %mul3A_2, %mul3A_248 : i32
      %dma_start3A_250 = arith.constant 0 : i32
      %dma_start3A_251 = tpu.memref_slice %arg4[%add3A_249, %dma_start3A_250] : memref<819200x128xf32, #tpu.memory_space<hbm>> -> memref<128x56xf32, #tpu.memory_space<hbm>>
      %dma_start3A_252 = arith.constant 0 : i32
      %dma_start3A_253 = tpu.memref_slice %arg4[%add3A_249, %dma_start3A_252] : memref<819200x128xf32, #tpu.memory_space<hbm>> -> memref<128x56xf32, #tpu.memory_space<hbm>>
      tpu.enqueue_dma source(%arg13 : memref<128x56xf32, #tpu.memory_space<vmem>>) target(%dma_start3A_253 : memref<128x56xf32, #tpu.memory_space<hbm>>) target_semaphore(%arg29 : memref<!tpu.dma_semaphore, #tpu.memory_space<semaphore_mem>>)
      %lt3A = arith.constant 24 : i32
      %lt3A_254 = arith.cmpi slt, %add3A_115, %lt3A : i32
      %convert_element_type3A = arith.extui %lt3A_254 : i1 to i32
      %cond3A = arith.constant 0 : i32
      %cond3A_255 = arith.cmpi ne, %convert_element_type3A, %cond3A : i32
      scf.if %cond3A_255 {
        %add3A_291 = arith.constant 0 : i32
        %add3A_292 = arith.addi %mul3A_117, %add3A_291 : i32
        %mul3A_293 = arith.constant 128 : i32
        %mul3A_294 = arith.muli %add3A_292, %mul3A_293 : i32
        %add3A_295 = arith.addi %mul3A_2, %mul3A_294 : i32
        %dma_wait3A_296 = arith.constant 0 : i32
        %dma_wait3A_297 = tpu.memref_slice %arg4[%add3A_295, %dma_wait3A_296] : memref<819200x128xf32, #tpu.memory_space<hbm>> -> memref<128x56xf32, #tpu.memory_space<hbm>>
        %dma_wait3A_298 = arith.constant 0 : i32
        %dma_wait3A_299 = tpu.memref_slice %arg4[%add3A_295, %dma_wait3A_298] : memref<819200x128xf32, #tpu.memory_space<hbm>> -> memref<128x56xf32, #tpu.memory_space<hbm>>
        tpu.wait_dma2 semaphore(%arg22 : memref<!tpu.dma_semaphore, #tpu.memory_space<semaphore_mem>>) src(%arg6 : memref<128x56xf32, #tpu.memory_space<vmem>>) dst(%dma_wait3A_299 : memref<128x56xf32, #tpu.memory_space<hbm>>)
        %add3A_300 = arith.constant 0 : i32
        %add3A_301 = arith.addi %mul3A_117, %add3A_300 : i32
        %add3A_302 = arith.constant 8 : i32
        %add3A_303 = arith.addi %add3A_301, %add3A_302 : i32
        %dma_start3A_304 = arith.constant 0 : i32
        %dma_start3A_305 = tpu.memref_slice %arg5[%add3A_303, %dma_start3A_304] : memref<200x128xi32, #tpu.memory_space<vmem>> -> memref<1x128xi32, #tpu.memory_space<vmem>>
        %dma_start3A_306 = tpu.memref_squeeze %dma_start3A_305 : memref<1x128xi32, #tpu.memory_space<vmem>> -> memref<128xi32, #tpu.memory_space<vmem>>
        %dma_start3A_307 = arith.constant 0 : i32
        %dma_start3A_308 = arith.constant 0 : i32
        %dma_start3A_309 = tpu.memref_slice %arg2[%dma_start3A_307, %dma_start3A_308] : memref<100000x56xf32, #tpu.memory_space<hbm>> -> memref<100000x56xf32, #tpu.memory_space<hbm>>
        tpu.enqueue_indirect_dma source(%dma_start3A_309 : memref<100000x56xf32, #tpu.memory_space<hbm>>) target(%arg6 : memref<128x56xf32, #tpu.memory_space<vmem>>) offsets(%dma_start3A_306 : memref<128xi32, #tpu.memory_space<vmem>>) semaphore(%arg14 : memref<!tpu.dma_semaphore, #tpu.memory_space<semaphore_mem>>)
      } else {
      }
      %lt3A_256 = arith.constant 24 : i32
      %lt3A_257 = arith.cmpi slt, %add3A_115, %lt3A_256 : i32
      %convert_element_type3A_258 = arith.extui %lt3A_257 : i1 to i32
      %cond3A_259 = arith.constant 0 : i32
      %cond3A_260 = arith.cmpi ne, %convert_element_type3A_258, %cond3A_259 : i32
      scf.if %cond3A_260 {
        %add3A_291 = arith.constant 1 : i32
        %add3A_292 = arith.addi %mul3A_117, %add3A_291 : i32
        %mul3A_293 = arith.constant 128 : i32
        %mul3A_294 = arith.muli %add3A_292, %mul3A_293 : i32
        %add3A_295 = arith.addi %mul3A_2, %mul3A_294 : i32
        %dma_wait3A_296 = arith.constant 0 : i32
        %dma_wait3A_297 = tpu.memref_slice %arg4[%add3A_295, %dma_wait3A_296] : memref<819200x128xf32, #tpu.memory_space<hbm>> -> memref<128x56xf32, #tpu.memory_space<hbm>>
        %dma_wait3A_298 = arith.constant 0 : i32
        %dma_wait3A_299 = tpu.memref_slice %arg4[%add3A_295, %dma_wait3A_298] : memref<819200x128xf32, #tpu.memory_space<hbm>> -> memref<128x56xf32, #tpu.memory_space<hbm>>
        tpu.wait_dma2 semaphore(%arg23 : memref<!tpu.dma_semaphore, #tpu.memory_space<semaphore_mem>>) src(%arg7 : memref<128x56xf32, #tpu.memory_space<vmem>>) dst(%dma_wait3A_299 : memref<128x56xf32, #tpu.memory_space<hbm>>)
        %add3A_300 = arith.constant 1 : i32
        %add3A_301 = arith.addi %mul3A_117, %add3A_300 : i32
        %add3A_302 = arith.constant 8 : i32
        %add3A_303 = arith.addi %add3A_301, %add3A_302 : i32
        %dma_start3A_304 = arith.constant 0 : i32
        %dma_start3A_305 = tpu.memref_slice %arg5[%add3A_303, %dma_start3A_304] : memref<200x128xi32, #tpu.memory_space<vmem>> -> memref<1x128xi32, #tpu.memory_space<vmem>>
        %dma_start3A_306 = tpu.memref_squeeze %dma_start3A_305 : memref<1x128xi32, #tpu.memory_space<vmem>> -> memref<128xi32, #tpu.memory_space<vmem>>
        %dma_start3A_307 = arith.constant 0 : i32
        %dma_start3A_308 = arith.constant 0 : i32
        %dma_start3A_309 = tpu.memref_slice %arg2[%dma_start3A_307, %dma_start3A_308] : memref<100000x56xf32, #tpu.memory_space<hbm>> -> memref<100000x56xf32, #tpu.memory_space<hbm>>
        tpu.enqueue_indirect_dma source(%dma_start3A_309 : memref<100000x56xf32, #tpu.memory_space<hbm>>) target(%arg7 : memref<128x56xf32, #tpu.memory_space<vmem>>) offsets(%dma_start3A_306 : memref<128xi32, #tpu.memory_space<vmem>>) semaphore(%arg15 : memref<!tpu.dma_semaphore, #tpu.memory_space<semaphore_mem>>)
      } else {
      }
      %lt3A_261 = arith.constant 24 : i32
      %lt3A_262 = arith.cmpi slt, %add3A_115, %lt3A_261 : i32
      %convert_element_type3A_263 = arith.extui %lt3A_262 : i1 to i32
      %cond3A_264 = arith.constant 0 : i32
      %cond3A_265 = arith.cmpi ne, %convert_element_type3A_263, %cond3A_264 : i32
      scf.if %cond3A_265 {
        %add3A_291 = arith.constant 2 : i32
        %add3A_292 = arith.addi %mul3A_117, %add3A_291 : i32
        %mul3A_293 = arith.constant 128 : i32
        %mul3A_294 = arith.muli %add3A_292, %mul3A_293 : i32
        %add3A_295 = arith.addi %mul3A_2, %mul3A_294 : i32
        %dma_wait3A_296 = arith.constant 0 : i32
        %dma_wait3A_297 = tpu.memref_slice %arg4[%add3A_295, %dma_wait3A_296] : memref<819200x128xf32, #tpu.memory_space<hbm>> -> memref<128x56xf32, #tpu.memory_space<hbm>>
        %dma_wait3A_298 = arith.constant 0 : i32
        %dma_wait3A_299 = tpu.memref_slice %arg4[%add3A_295, %dma_wait3A_298] : memref<819200x128xf32, #tpu.memory_space<hbm>> -> memref<128x56xf32, #tpu.memory_space<hbm>>
        tpu.wait_dma2 semaphore(%arg24 : memref<!tpu.dma_semaphore, #tpu.memory_space<semaphore_mem>>) src(%arg8 : memref<128x56xf32, #tpu.memory_space<vmem>>) dst(%dma_wait3A_299 : memref<128x56xf32, #tpu.memory_space<hbm>>)
        %add3A_300 = arith.constant 2 : i32
        %add3A_301 = arith.addi %mul3A_117, %add3A_300 : i32
        %add3A_302 = arith.constant 8 : i32
        %add3A_303 = arith.addi %add3A_301, %add3A_302 : i32
        %dma_start3A_304 = arith.constant 0 : i32
        %dma_start3A_305 = tpu.memref_slice %arg5[%add3A_303, %dma_start3A_304] : memref<200x128xi32, #tpu.memory_space<vmem>> -> memref<1x128xi32, #tpu.memory_space<vmem>>
        %dma_start3A_306 = tpu.memref_squeeze %dma_start3A_305 : memref<1x128xi32, #tpu.memory_space<vmem>> -> memref<128xi32, #tpu.memory_space<vmem>>
        %dma_start3A_307 = arith.constant 0 : i32
        %dma_start3A_308 = arith.constant 0 : i32
        %dma_start3A_309 = tpu.memref_slice %arg2[%dma_start3A_307, %dma_start3A_308] : memref<100000x56xf32, #tpu.memory_space<hbm>> -> memref<100000x56xf32, #tpu.memory_space<hbm>>
        tpu.enqueue_indirect_dma source(%dma_start3A_309 : memref<100000x56xf32, #tpu.memory_space<hbm>>) target(%arg8 : memref<128x56xf32, #tpu.memory_space<vmem>>) offsets(%dma_start3A_306 : memref<128xi32, #tpu.memory_space<vmem>>) semaphore(%arg16 : memref<!tpu.dma_semaphore, #tpu.memory_space<semaphore_mem>>)
      } else {
      }
      %lt3A_266 = arith.constant 24 : i32
      %lt3A_267 = arith.cmpi slt, %add3A_115, %lt3A_266 : i32
      %convert_element_type3A_268 = arith.extui %lt3A_267 : i1 to i32
      %cond3A_269 = arith.constant 0 : i32
      %cond3A_270 = arith.cmpi ne, %convert_element_type3A_268, %cond3A_269 : i32
      scf.if %cond3A_270 {
        %add3A_291 = arith.constant 3 : i32
        %add3A_292 = arith.addi %mul3A_117, %add3A_291 : i32
        %mul3A_293 = arith.constant 128 : i32
        %mul3A_294 = arith.muli %add3A_292, %mul3A_293 : i32
        %add3A_295 = arith.addi %mul3A_2, %mul3A_294 : i32
        %dma_wait3A_296 = arith.constant 0 : i32
        %dma_wait3A_297 = tpu.memref_slice %arg4[%add3A_295, %dma_wait3A_296] : memref<819200x128xf32, #tpu.memory_space<hbm>> -> memref<128x56xf32, #tpu.memory_space<hbm>>
        %dma_wait3A_298 = arith.constant 0 : i32
        %dma_wait3A_299 = tpu.memref_slice %arg4[%add3A_295, %dma_wait3A_298] : memref<819200x128xf32, #tpu.memory_space<hbm>> -> memref<128x56xf32, #tpu.memory_space<hbm>>
        tpu.wait_dma2 semaphore(%arg25 : memref<!tpu.dma_semaphore, #tpu.memory_space<semaphore_mem>>) src(%arg9 : memref<128x56xf32, #tpu.memory_space<vmem>>) dst(%dma_wait3A_299 : memref<128x56xf32, #tpu.memory_space<hbm>>)
        %add3A_300 = arith.constant 3 : i32
        %add3A_301 = arith.addi %mul3A_117, %add3A_300 : i32
        %add3A_302 = arith.constant 8 : i32
        %add3A_303 = arith.addi %add3A_301, %add3A_302 : i32
        %dma_start3A_304 = arith.constant 0 : i32
        %dma_start3A_305 = tpu.memref_slice %arg5[%add3A_303, %dma_start3A_304] : memref<200x128xi32, #tpu.memory_space<vmem>> -> memref<1x128xi32, #tpu.memory_space<vmem>>
        %dma_start3A_306 = tpu.memref_squeeze %dma_start3A_305 : memref<1x128xi32, #tpu.memory_space<vmem>> -> memref<128xi32, #tpu.memory_space<vmem>>
        %dma_start3A_307 = arith.constant 0 : i32
        %dma_start3A_308 = arith.constant 0 : i32
        %dma_start3A_309 = tpu.memref_slice %arg2[%dma_start3A_307, %dma_start3A_308] : memref<100000x56xf32, #tpu.memory_space<hbm>> -> memref<100000x56xf32, #tpu.memory_space<hbm>>
        tpu.enqueue_indirect_dma source(%dma_start3A_309 : memref<100000x56xf32, #tpu.memory_space<hbm>>) target(%arg9 : memref<128x56xf32, #tpu.memory_space<vmem>>) offsets(%dma_start3A_306 : memref<128xi32, #tpu.memory_space<vmem>>) semaphore(%arg17 : memref<!tpu.dma_semaphore, #tpu.memory_space<semaphore_mem>>)
      } else {
      }
      %lt3A_271 = arith.constant 24 : i32
      %lt3A_272 = arith.cmpi slt, %add3A_115, %lt3A_271 : i32
      %convert_element_type3A_273 = arith.extui %lt3A_272 : i1 to i32
      %cond3A_274 = arith.constant 0 : i32
      %cond3A_275 = arith.cmpi ne, %convert_element_type3A_273, %cond3A_274 : i32
      scf.if %cond3A_275 {
        %add3A_291 = arith.constant 4 : i32
        %add3A_292 = arith.addi %mul3A_117, %add3A_291 : i32
        %mul3A_293 = arith.constant 128 : i32
        %mul3A_294 = arith.muli %add3A_292, %mul3A_293 : i32
        %add3A_295 = arith.addi %mul3A_2, %mul3A_294 : i32
        %dma_wait3A_296 = arith.constant 0 : i32
        %dma_wait3A_297 = tpu.memref_slice %arg4[%add3A_295, %dma_wait3A_296] : memref<819200x128xf32, #tpu.memory_space<hbm>> -> memref<128x56xf32, #tpu.memory_space<hbm>>
        %dma_wait3A_298 = arith.constant 0 : i32
        %dma_wait3A_299 = tpu.memref_slice %arg4[%add3A_295, %dma_wait3A_298] : memref<819200x128xf32, #tpu.memory_space<hbm>> -> memref<128x56xf32, #tpu.memory_space<hbm>>
        tpu.wait_dma2 semaphore(%arg26 : memref<!tpu.dma_semaphore, #tpu.memory_space<semaphore_mem>>) src(%arg10 : memref<128x56xf32, #tpu.memory_space<vmem>>) dst(%dma_wait3A_299 : memref<128x56xf32, #tpu.memory_space<hbm>>)
        %add3A_300 = arith.constant 4 : i32
        %add3A_301 = arith.addi %mul3A_117, %add3A_300 : i32
        %add3A_302 = arith.constant 8 : i32
        %add3A_303 = arith.addi %add3A_301, %add3A_302 : i32
        %dma_start3A_304 = arith.constant 0 : i32
        %dma_start3A_305 = tpu.memref_slice %arg5[%add3A_303, %dma_start3A_304] : memref<200x128xi32, #tpu.memory_space<vmem>> -> memref<1x128xi32, #tpu.memory_space<vmem>>
        %dma_start3A_306 = tpu.memref_squeeze %dma_start3A_305 : memref<1x128xi32, #tpu.memory_space<vmem>> -> memref<128xi32, #tpu.memory_space<vmem>>
        %dma_start3A_307 = arith.constant 0 : i32
        %dma_start3A_308 = arith.constant 0 : i32
        %dma_start3A_309 = tpu.memref_slice %arg2[%dma_start3A_307, %dma_start3A_308] : memref<100000x56xf32, #tpu.memory_space<hbm>> -> memref<100000x56xf32, #tpu.memory_space<hbm>>
        tpu.enqueue_indirect_dma source(%dma_start3A_309 : memref<100000x56xf32, #tpu.memory_space<hbm>>) target(%arg10 : memref<128x56xf32, #tpu.memory_space<vmem>>) offsets(%dma_start3A_306 : memref<128xi32, #tpu.memory_space<vmem>>) semaphore(%arg18 : memref<!tpu.dma_semaphore, #tpu.memory_space<semaphore_mem>>)
      } else {
      }
      %lt3A_276 = arith.constant 24 : i32
      %lt3A_277 = arith.cmpi slt, %add3A_115, %lt3A_276 : i32
      %convert_element_type3A_278 = arith.extui %lt3A_277 : i1 to i32
      %cond3A_279 = arith.constant 0 : i32
      %cond3A_280 = arith.cmpi ne, %convert_element_type3A_278, %cond3A_279 : i32
      scf.if %cond3A_280 {
        %add3A_291 = arith.constant 5 : i32
        %add3A_292 = arith.addi %mul3A_117, %add3A_291 : i32
        %mul3A_293 = arith.constant 128 : i32
        %mul3A_294 = arith.muli %add3A_292, %mul3A_293 : i32
        %add3A_295 = arith.addi %mul3A_2, %mul3A_294 : i32
        %dma_wait3A_296 = arith.constant 0 : i32
        %dma_wait3A_297 = tpu.memref_slice %arg4[%add3A_295, %dma_wait3A_296] : memref<819200x128xf32, #tpu.memory_space<hbm>> -> memref<128x56xf32, #tpu.memory_space<hbm>>
        %dma_wait3A_298 = arith.constant 0 : i32
        %dma_wait3A_299 = tpu.memref_slice %arg4[%add3A_295, %dma_wait3A_298] : memref<819200x128xf32, #tpu.memory_space<hbm>> -> memref<128x56xf32, #tpu.memory_space<hbm>>
        tpu.wait_dma2 semaphore(%arg27 : memref<!tpu.dma_semaphore, #tpu.memory_space<semaphore_mem>>) src(%arg11 : memref<128x56xf32, #tpu.memory_space<vmem>>) dst(%dma_wait3A_299 : memref<128x56xf32, #tpu.memory_space<hbm>>)
        %add3A_300 = arith.constant 5 : i32
        %add3A_301 = arith.addi %mul3A_117, %add3A_300 : i32
        %add3A_302 = arith.constant 8 : i32
        %add3A_303 = arith.addi %add3A_301, %add3A_302 : i32
        %dma_start3A_304 = arith.constant 0 : i32
        %dma_start3A_305 = tpu.memref_slice %arg5[%add3A_303, %dma_start3A_304] : memref<200x128xi32, #tpu.memory_space<vmem>> -> memref<1x128xi32, #tpu.memory_space<vmem>>
        %dma_start3A_306 = tpu.memref_squeeze %dma_start3A_305 : memref<1x128xi32, #tpu.memory_space<vmem>> -> memref<128xi32, #tpu.memory_space<vmem>>
        %dma_start3A_307 = arith.constant 0 : i32
        %dma_start3A_308 = arith.constant 0 : i32
        %dma_start3A_309 = tpu.memref_slice %arg2[%dma_start3A_307, %dma_start3A_308] : memref<100000x56xf32, #tpu.memory_space<hbm>> -> memref<100000x56xf32, #tpu.memory_space<hbm>>
        tpu.enqueue_indirect_dma source(%dma_start3A_309 : memref<100000x56xf32, #tpu.memory_space<hbm>>) target(%arg11 : memref<128x56xf32, #tpu.memory_space<vmem>>) offsets(%dma_start3A_306 : memref<128xi32, #tpu.memory_space<vmem>>) semaphore(%arg19 : memref<!tpu.dma_semaphore, #tpu.memory_space<semaphore_mem>>)
      } else {
      }
      %lt3A_281 = arith.constant 24 : i32
      %lt3A_282 = arith.cmpi slt, %add3A_115, %lt3A_281 : i32
      %convert_element_type3A_283 = arith.extui %lt3A_282 : i1 to i32
      %cond3A_284 = arith.constant 0 : i32
      %cond3A_285 = arith.cmpi ne, %convert_element_type3A_283, %cond3A_284 : i32
      scf.if %cond3A_285 {
        %add3A_291 = arith.constant 6 : i32
        %add3A_292 = arith.addi %mul3A_117, %add3A_291 : i32
        %mul3A_293 = arith.constant 128 : i32
        %mul3A_294 = arith.muli %add3A_292, %mul3A_293 : i32
        %add3A_295 = arith.addi %mul3A_2, %mul3A_294 : i32
        %dma_wait3A_296 = arith.constant 0 : i32
        %dma_wait3A_297 = tpu.memref_slice %arg4[%add3A_295, %dma_wait3A_296] : memref<819200x128xf32, #tpu.memory_space<hbm>> -> memref<128x56xf32, #tpu.memory_space<hbm>>
        %dma_wait3A_298 = arith.constant 0 : i32
        %dma_wait3A_299 = tpu.memref_slice %arg4[%add3A_295, %dma_wait3A_298] : memref<819200x128xf32, #tpu.memory_space<hbm>> -> memref<128x56xf32, #tpu.memory_space<hbm>>
        tpu.wait_dma2 semaphore(%arg28 : memref<!tpu.dma_semaphore, #tpu.memory_space<semaphore_mem>>) src(%arg12 : memref<128x56xf32, #tpu.memory_space<vmem>>) dst(%dma_wait3A_299 : memref<128x56xf32, #tpu.memory_space<hbm>>)
        %add3A_300 = arith.constant 6 : i32
        %add3A_301 = arith.addi %mul3A_117, %add3A_300 : i32
        %add3A_302 = arith.constant 8 : i32
        %add3A_303 = arith.addi %add3A_301, %add3A_302 : i32
        %dma_start3A_304 = arith.constant 0 : i32
        %dma_start3A_305 = tpu.memref_slice %arg5[%add3A_303, %dma_start3A_304] : memref<200x128xi32, #tpu.memory_space<vmem>> -> memref<1x128xi32, #tpu.memory_space<vmem>>
        %dma_start3A_306 = tpu.memref_squeeze %dma_start3A_305 : memref<1x128xi32, #tpu.memory_space<vmem>> -> memref<128xi32, #tpu.memory_space<vmem>>
        %dma_start3A_307 = arith.constant 0 : i32
        %dma_start3A_308 = arith.constant 0 : i32
        %dma_start3A_309 = tpu.memref_slice %arg2[%dma_start3A_307, %dma_start3A_308] : memref<100000x56xf32, #tpu.memory_space<hbm>> -> memref<100000x56xf32, #tpu.memory_space<hbm>>
        tpu.enqueue_indirect_dma source(%dma_start3A_309 : memref<100000x56xf32, #tpu.memory_space<hbm>>) target(%arg12 : memref<128x56xf32, #tpu.memory_space<vmem>>) offsets(%dma_start3A_306 : memref<128xi32, #tpu.memory_space<vmem>>) semaphore(%arg20 : memref<!tpu.dma_semaphore, #tpu.memory_space<semaphore_mem>>)
      } else {
      }
      %lt3A_286 = arith.constant 24 : i32
      %lt3A_287 = arith.cmpi slt, %add3A_115, %lt3A_286 : i32
      %convert_element_type3A_288 = arith.extui %lt3A_287 : i1 to i32
      %cond3A_289 = arith.constant 0 : i32
      %cond3A_290 = arith.cmpi ne, %convert_element_type3A_288, %cond3A_289 : i32
      scf.if %cond3A_290 {
        %add3A_291 = arith.constant 7 : i32
        %add3A_292 = arith.addi %mul3A_117, %add3A_291 : i32
        %mul3A_293 = arith.constant 128 : i32
        %mul3A_294 = arith.muli %add3A_292, %mul3A_293 : i32
        %add3A_295 = arith.addi %mul3A_2, %mul3A_294 : i32
        %dma_wait3A_296 = arith.constant 0 : i32
        %dma_wait3A_297 = tpu.memref_slice %arg4[%add3A_295, %dma_wait3A_296] : memref<819200x128xf32, #tpu.memory_space<hbm>> -> memref<128x56xf32, #tpu.memory_space<hbm>>
        %dma_wait3A_298 = arith.constant 0 : i32
        %dma_wait3A_299 = tpu.memref_slice %arg4[%add3A_295, %dma_wait3A_298] : memref<819200x128xf32, #tpu.memory_space<hbm>> -> memref<128x56xf32, #tpu.memory_space<hbm>>
        tpu.wait_dma2 semaphore(%arg29 : memref<!tpu.dma_semaphore, #tpu.memory_space<semaphore_mem>>) src(%arg13 : memref<128x56xf32, #tpu.memory_space<vmem>>) dst(%dma_wait3A_299 : memref<128x56xf32, #tpu.memory_space<hbm>>)
        %add3A_300 = arith.constant 7 : i32
        %add3A_301 = arith.addi %mul3A_117, %add3A_300 : i32
        %add3A_302 = arith.constant 8 : i32
        %add3A_303 = arith.addi %add3A_301, %add3A_302 : i32
        %dma_start3A_304 = arith.constant 0 : i32
        %dma_start3A_305 = tpu.memref_slice %arg5[%add3A_303, %dma_start3A_304] : memref<200x128xi32, #tpu.memory_space<vmem>> -> memref<1x128xi32, #tpu.memory_space<vmem>>
        %dma_start3A_306 = tpu.memref_squeeze %dma_start3A_305 : memref<1x128xi32, #tpu.memory_space<vmem>> -> memref<128xi32, #tpu.memory_space<vmem>>
        %dma_start3A_307 = arith.constant 0 : i32
        %dma_start3A_308 = arith.constant 0 : i32
        %dma_start3A_309 = tpu.memref_slice %arg2[%dma_start3A_307, %dma_start3A_308] : memref<100000x56xf32, #tpu.memory_space<hbm>> -> memref<100000x56xf32, #tpu.memory_space<hbm>>
        tpu.enqueue_indirect_dma source(%dma_start3A_309 : memref<100000x56xf32, #tpu.memory_space<hbm>>) target(%arg13 : memref<128x56xf32, #tpu.memory_space<vmem>>) offsets(%dma_start3A_306 : memref<128xi32, #tpu.memory_space<vmem>>) semaphore(%arg21 : memref<!tpu.dma_semaphore, #tpu.memory_space<semaphore_mem>>)
      } else {
      }
    }
    %scan3A_63 = arith.constant 25 : i32
    %add3A_64 = arith.constant 24576 : i32
    %add3A_65 = arith.addi %mul3A_2, %add3A_64 : i32
    %dma_wait3A = arith.constant 0 : i32
    %dma_wait3A_66 = tpu.memref_slice %arg4[%add3A_65, %dma_wait3A] : memref<819200x128xf32, #tpu.memory_space<hbm>> -> memref<128x56xf32, #tpu.memory_space<hbm>>
    %dma_wait3A_67 = arith.constant 0 : i32
    %dma_wait3A_68 = tpu.memref_slice %arg4[%add3A_65, %dma_wait3A_67] : memref<819200x128xf32, #tpu.memory_space<hbm>> -> memref<128x56xf32, #tpu.memory_space<hbm>>
    tpu.wait_dma2 semaphore(%arg22 : memref<!tpu.dma_semaphore, #tpu.memory_space<semaphore_mem>>) src(%arg6 : memref<128x56xf32, #tpu.memory_space<vmem>>) dst(%dma_wait3A_68 : memref<128x56xf32, #tpu.memory_space<hbm>>)
    %add3A_69 = arith.constant 24704 : i32
    %add3A_70 = arith.addi %mul3A_2, %add3A_69 : i32
    %dma_wait3A_71 = arith.constant 0 : i32
    %dma_wait3A_72 = tpu.memref_slice %arg4[%add3A_70, %dma_wait3A_71] : memref<819200x128xf32, #tpu.memory_space<hbm>> -> memref<128x56xf32, #tpu.memory_space<hbm>>
    %dma_wait3A_73 = arith.constant 0 : i32
    %dma_wait3A_74 = tpu.memref_slice %arg4[%add3A_70, %dma_wait3A_73] : memref<819200x128xf32, #tpu.memory_space<hbm>> -> memref<128x56xf32, #tpu.memory_space<hbm>>
    tpu.wait_dma2 semaphore(%arg23 : memref<!tpu.dma_semaphore, #tpu.memory_space<semaphore_mem>>) src(%arg7 : memref<128x56xf32, #tpu.memory_space<vmem>>) dst(%dma_wait3A_74 : memref<128x56xf32, #tpu.memory_space<hbm>>)
    %add3A_75 = arith.constant 24832 : i32
    %add3A_76 = arith.addi %mul3A_2, %add3A_75 : i32
    %dma_wait3A_77 = arith.constant 0 : i32
    %dma_wait3A_78 = tpu.memref_slice %arg4[%add3A_76, %dma_wait3A_77] : memref<819200x128xf32, #tpu.memory_space<hbm>> -> memref<128x56xf32, #tpu.memory_space<hbm>>
    %dma_wait3A_79 = arith.constant 0 : i32
    %dma_wait3A_80 = tpu.memref_slice %arg4[%add3A_76, %dma_wait3A_79] : memref<819200x128xf32, #tpu.memory_space<hbm>> -> memref<128x56xf32, #tpu.memory_space<hbm>>
    tpu.wait_dma2 semaphore(%arg24 : memref<!tpu.dma_semaphore, #tpu.memory_space<semaphore_mem>>) src(%arg8 : memref<128x56xf32, #tpu.memory_space<vmem>>) dst(%dma_wait3A_80 : memref<128x56xf32, #tpu.memory_space<hbm>>)
    %add3A_81 = arith.constant 24960 : i32
    %add3A_82 = arith.addi %mul3A_2, %add3A_81 : i32
    %dma_wait3A_83 = arith.constant 0 : i32
    %dma_wait3A_84 = tpu.memref_slice %arg4[%add3A_82, %dma_wait3A_83] : memref<819200x128xf32, #tpu.memory_space<hbm>> -> memref<128x56xf32, #tpu.memory_space<hbm>>
    %dma_wait3A_85 = arith.constant 0 : i32
    %dma_wait3A_86 = tpu.memref_slice %arg4[%add3A_82, %dma_wait3A_85] : memref<819200x128xf32, #tpu.memory_space<hbm>> -> memref<128x56xf32, #tpu.memory_space<hbm>>
    tpu.wait_dma2 semaphore(%arg25 : memref<!tpu.dma_semaphore, #tpu.memory_space<semaphore_mem>>) src(%arg9 : memref<128x56xf32, #tpu.memory_space<vmem>>) dst(%dma_wait3A_86 : memref<128x56xf32, #tpu.memory_space<hbm>>)
    %add3A_87 = arith.constant 25088 : i32
    %add3A_88 = arith.addi %mul3A_2, %add3A_87 : i32
    %dma_wait3A_89 = arith.constant 0 : i32
    %dma_wait3A_90 = tpu.memref_slice %arg4[%add3A_88, %dma_wait3A_89] : memref<819200x128xf32, #tpu.memory_space<hbm>> -> memref<128x56xf32, #tpu.memory_space<hbm>>
    %dma_wait3A_91 = arith.constant 0 : i32
    %dma_wait3A_92 = tpu.memref_slice %arg4[%add3A_88, %dma_wait3A_91] : memref<819200x128xf32, #tpu.memory_space<hbm>> -> memref<128x56xf32, #tpu.memory_space<hbm>>
    tpu.wait_dma2 semaphore(%arg26 : memref<!tpu.dma_semaphore, #tpu.memory_space<semaphore_mem>>) src(%arg10 : memref<128x56xf32, #tpu.memory_space<vmem>>) dst(%dma_wait3A_92 : memref<128x56xf32, #tpu.memory_space<hbm>>)
    %add3A_93 = arith.constant 25216 : i32
    %add3A_94 = arith.addi %mul3A_2, %add3A_93 : i32
    %dma_wait3A_95 = arith.constant 0 : i32
    %dma_wait3A_96 = tpu.memref_slice %arg4[%add3A_94, %dma_wait3A_95] : memref<819200x128xf32, #tpu.memory_space<hbm>> -> memref<128x56xf32, #tpu.memory_space<hbm>>
    %dma_wait3A_97 = arith.constant 0 : i32
    %dma_wait3A_98 = tpu.memref_slice %arg4[%add3A_94, %dma_wait3A_97] : memref<819200x128xf32, #tpu.memory_space<hbm>> -> memref<128x56xf32, #tpu.memory_space<hbm>>
    tpu.wait_dma2 semaphore(%arg27 : memref<!tpu.dma_semaphore, #tpu.memory_space<semaphore_mem>>) src(%arg11 : memref<128x56xf32, #tpu.memory_space<vmem>>) dst(%dma_wait3A_98 : memref<128x56xf32, #tpu.memory_space<hbm>>)
    %add3A_99 = arith.constant 25344 : i32
    %add3A_100 = arith.addi %mul3A_2, %add3A_99 : i32
    %dma_wait3A_101 = arith.constant 0 : i32
    %dma_wait3A_102 = tpu.memref_slice %arg4[%add3A_100, %dma_wait3A_101] : memref<819200x128xf32, #tpu.memory_space<hbm>> -> memref<128x56xf32, #tpu.memory_space<hbm>>
    %dma_wait3A_103 = arith.constant 0 : i32
    %dma_wait3A_104 = tpu.memref_slice %arg4[%add3A_100, %dma_wait3A_103] : memref<819200x128xf32, #tpu.memory_space<hbm>> -> memref<128x56xf32, #tpu.memory_space<hbm>>
    tpu.wait_dma2 semaphore(%arg28 : memref<!tpu.dma_semaphore, #tpu.memory_space<semaphore_mem>>) src(%arg12 : memref<128x56xf32, #tpu.memory_space<vmem>>) dst(%dma_wait3A_104 : memref<128x56xf32, #tpu.memory_space<hbm>>)
    %add3A_105 = arith.constant 25472 : i32
    %add3A_106 = arith.addi %mul3A_2, %add3A_105 : i32
    %dma_wait3A_107 = arith.constant 0 : i32
    %dma_wait3A_108 = tpu.memref_slice %arg4[%add3A_106, %dma_wait3A_107] : memref<819200x128xf32, #tpu.memory_space<hbm>> -> memref<128x56xf32, #tpu.memory_space<hbm>>
    %dma_wait3A_109 = arith.constant 0 : i32
    %dma_wait3A_110 = tpu.memref_slice %arg4[%add3A_106, %dma_wait3A_109] : memref<819200x128xf32, #tpu.memory_space<hbm>> -> memref<128x56xf32, #tpu.memory_space<hbm>>
    tpu.wait_dma2 semaphore(%arg29 : memref<!tpu.dma_semaphore, #tpu.memory_space<semaphore_mem>>) src(%arg13 : memref<128x56xf32, #tpu.memory_space<vmem>>) dst(%dma_wait3A_110 : memref<128x56xf32, #tpu.memory_space<hbm>>)
    return
  }
}

</mosaic_0001>

<sc_bundles>
// kernel: _embedding_lookup.3.cloned.1.call-start
scs
__scs_entry_jumppad:
0x0: {  	(pc) =	sbr.rel $0x88, $3  }
0x1: {  	(tag) =	ssettag $0x0;
	lr =	simm.s32 $0x1  }
0x2: {  	[smem:$0x3F9F] =	sst lr;
	_ =	strace $0xD0000000  }
0x3: {  	_ = 	snop  }
0x4: {  	_ = 	snop  }
0x5: {  	_ = 	snop  }
0x6: {  	_ = 	snop  }
0x7: {  	_ = 	snop  }
__scs_overlays_trampoline_lowered:
0x8: {  	[smem:$0x3FAE] =	sst s0  }
0x9: {  	[smem:$0x3FAF] =	sst s1  }
0xa: {  	[smem:$0x3FB0] =	sst s2  }
0xb: {  	[smem:$0x3FB1] =	sst s3  }
0xc: {  	[smem:$0x3FB2] =	sst s4  }
0xd: {  	[smem:$0x3FB3] =	sst s5  }
0xe: {  	[smem:$0x3FB4] =	sst s6  }
0xf: {  	[smem:$0x3FB5] =	sst s7  }
0x10: {  	[smem:$0x3FB6] =	sst s8  }
0x11: {  	[smem:$0x3FB7] =	sst s9;
	s0 =	simm.s32 @!p0 $0x0  }
0x12: {  	s1 =	sld [smem:$0x3F9D];
	s0 =	simm.s32 @p0 $0x1  }
0x13: {  	[smem:$0x3FB8] =	sst s0;
	s0 =	simm.s32 @!p1 $0x0  }
0x14: {  	s2 =	sld [smem:$0x3F9C];
	s0 =	simm.s32 @p1 $0x1  }
0x15: {  	[smem:$0x3FB9] =	sst s0;
	s0 =	simm.s32 @!p2 $0x0  }
0x16: {  	s3 =	sld [smem:$0x3FDB];
	s0 =	simm.s32 @p2 $0x1  }
0x17: {  	s4 =	simm.s32 $0x1BF5;
	[smem:$0x3FBB] =	sst s0  }
0x18: {  	s0 =	sld [smem:$0x3F9E];
	_ =	swait.ge [sflag:s4], $0x0  }
0x19: {  	s7 =	sld [smem:$0x3F9F]  }
0x1a: {  	s8 =	sadd.s32 $0xFFFFE003, lr  }
0x1b: {  	s9 =	sadd.s32 $0xFFFFFEF7, lr;
	s5 =	simm.s32 $0xFFFFFFFF;
	p2 =	slt.u32 s8, $0xFFFFF086  }
0x1c: {  	p1 =	slt.u32 s9, $0xF7A;
	s5 =	simm.s32 @!p2 $0x0  }
0x1d: {  	s5 =	simm.s32 @p1 $0x1;
	p0 =	seq.s32 s7, s2  }
0x1e: {  	s7 =	smul.u32 @!p0 $0xF7A, s2;
	p2 =	seq.s32 @!p0 s5, $0x0  }
0x1f: {  	s9 =	smul.u32 $0xF7A, s1;
	s8 =	simm.s32 @!p0 $0x1BF5;
	p2 =	por !p2, p0  }
0x20: {  	[sflag:s8] =	ssyncset.s32 @!p0 $0xFFFFF086;
	s6 =	sadd.s32 @!p0 s3, s7;
	s7 =	simm.s32 @!p0 $0x108  }
0x21: {  	s3 =	sadd.s32 s3, s9;
	s6 =	sadd.s32 @!p0 $0x88, s6;
	s7 =	simm.s32 @p2 $0x1082  }
0x22: {  	[simem:s7], [sflag:s8] =	dma.local @!p0 [hbm:s6], $0xF7A  }
0x23: {  	s9 =	sor.u32 $0xD0000000, s2;
	s6 =	simm.s32 $0x108;
	_ =	swait.ge @!p0 [sflag:s8], $0x0  }
0x24: {  	s3 =	sadd.s32 $0x88, s3;
	s6 =	simm.s32 @!p1 $0x1082;
	[sflag:s4] =	ssyncset.s32 $0xFFFFF086  }
0x25: {  	[simem:s6], [sflag:s4] =	dma.local [hbm:s3], $0xF7A  }
0x26: {  	[smem:$0x3F9F] =	sst s1;
	(tag) =	ssettag s2;
	_ =	strace s9  }
0x27: {  	s1 =	sld [smem:$0x3FAF]  }
0x28: {  	s2 =	sld [smem:$0x3FB0]  }
0x29: {  	s4 =	sld [smem:$0x3FB2]  }
0x2a: {  	p0 =	seq.s32 s5, $0x0;
	s5 =	sld [smem:$0x3FB3]  }
0x2b: {  	s6 =	sld [smem:$0x3FB4]  }
0x2c: {  	s7 =	sld [smem:$0x3FB5]  }
0x2d: {  	s3 =	simm.s32 $0x108;
	s8 =	sld [smem:$0x3FB6]  }
0x2e: {  	s3 =	simm.s32 @!p0 $0x1082;
	s9 =	sld [smem:$0x3FB7]  }
0x2f: {  	lr =	sadd.s32 s0, s3;
	s0 =	sld [smem:$0x3FAE]  }
0x30: {  	s3 =	sld [smem:$0x3FB1]  }
0x31: {  	[smem:$0x3FBA] =	sst s10  }
0x32: {  	s10 =	sld [smem:$0x3FB8];
	_ =	sdelay $0x3  }
0x33: {  	p0 =	seq.s32 s10, $0x1;
	s10 =	sld [smem:$0x3FBA];
	_ =	sdelay $0x3  }
0x34: {  	[smem:$0x3FBA] =	sst s10  }
0x35: {  	s10 =	sld [smem:$0x3FB9];
	_ =	sdelay $0x3  }
0x36: {  	p1 =	seq.s32 s10, $0x1;
	s10 =	sld [smem:$0x3FBA];
	_ =	sdelay $0x3  }
0x37: {  	[smem:$0x3FBA] =	sst s10  }
0x38: {  	s10 =	sld [smem:$0x3FBB]  }
0x39: {  	_ = 	snop;
	(pc) =	sbr.ind lr, $3  }
0x3a: {  	_ = 	snop  }
0x3b: {  	_ = 	snop  }
0x3c: {  	p2 =	seq.s32 s10, $0x1;
	s10 =	sld [smem:$0x3FBA]  }
0x3d: {  	_ =	shalt  }
0x3e: {  	_ =	shalt  }
0x3f: {  	_ =	shalt  }
0x40: {  	_ =	shalt  }
0x41: {  	_ =	shalt  }
0x42: {  	_ =	shalt  }
0x43: {  	_ =	shalt  }
0x44: {  	_ =	shalt  }
0x45: {  	_ =	shalt  }
0x46: {  	_ =	shalt  }
0x47: {  	_ =	shalt  }
0x48: {  	_ =	shalt  }
0x49: {  	_ =	shalt  }
0x4a: {  	_ =	shalt  }
0x4b: {  	_ =	shalt  }
0x4c: {  	_ =	shalt  }
0x4d: {  	_ =	shalt  }
0x4e: {  	_ =	shalt  }
0x4f: {  	_ =	shalt  }
0x50: {  	_ =	shalt  }
0x51: {  	_ =	shalt  }
0x52: {  	_ =	shalt  }
0x53: {  	_ =	shalt  }
0x54: {  	_ =	shalt  }
0x55: {  	_ =	shalt  }
0x56: {  	_ =	shalt  }
0x57: {  	_ =	shalt  }
0x58: {  	_ =	shalt  }
0x59: {  	_ =	shalt  }
0x5a: {  	_ =	shalt  }
0x5b: {  	_ =	shalt  }
0x5c: {  	_ =	shalt  }
0x5d: {  	_ =	shalt  }
0x5e: {  	_ =	shalt  }
0x5f: {  	_ =	shalt  }
0x60: {  	_ =	shalt  }
0x61: {  	_ =	shalt  }
0x62: {  	_ =	shalt  }
0x63: {  	_ =	shalt  }
0x64: {  	_ =	shalt  }
0x65: {  	_ =	shalt  }
0x66: {  	_ =	shalt  }
0x67: {  	_ =	shalt  }
0x68: {  	_ =	shalt  }
0x69: {  	_ =	shalt  }
0x6a: {  	_ =	shalt  }
0x6b: {  	_ =	shalt  }
0x6c: {  	_ =	shalt  }
0x6d: {  	_ =	shalt  }
0x6e: {  	_ =	shalt  }
0x6f: {  	_ =	shalt  }
0x70: {  	_ =	shalt  }
0x71: {  	_ =	shalt  }
0x72: {  	_ =	shalt  }
0x73: {  	_ =	shalt  }
0x74: {  	_ =	shalt  }
0x75: {  	_ =	shalt  }
0x76: {  	_ =	shalt  }
0x77: {  	_ =	shalt  }
0x78: {  	_ =	shalt  }
0x79: {  	_ =	shalt  }
0x7a: {  	_ =	shalt  }
0x7b: {  	_ =	shalt  }
0x7c: {  	_ =	shalt  }
0x7d: {  	_ =	shalt  }
0x7e: {  	_ =	shalt  }
0x7f: {  	_ =	shalt  }
0x80: {  	_ =	shalt  }
0x81: {  	_ =	shalt  }
0x82: {  	_ =	shalt  }
0x83: {  	_ =	shalt  }
0x84: {  	_ =	shalt  }
0x85: {  	_ =	shalt  }
0x86: {  	_ =	shalt  }
0x87: {  	_ =	shalt  }
.Lfunc_end0:
.L_simem_size_0:
called_computation_lowered:
.L_overlay_start_0:
0x88: {  	s2 =	sld [smem:$0x3FD9]  }
0x89: {  	s3 =	sld [smem:$0x3FFE];
	_ =	sdelay $0x1  }
0x8a: {  	s1 =	srdreg.scid  }
0x8b: {  	s0 =	sand.u32 $0x1, s1  }
0x8c: {  	s17 =	sshll.u32 s0, $0xA;
	s2 =	sadd.s32 s3, s2  }
0x8d: {  	s2 =	sadd.s32 s2, s17  }
0x8e: {  	[smem:$0x3FC6] =	sst s2  }
0x8f: {  	_ = 	snop  }
0x90: {  	s2 =	sld [smem:$0x3FC8]  }
0x91: {  	s18 =	sld [smem:$0x3FD0];
	(tm) =	ssettm $0x1  }
0x92: {  	s4 =	sld [smem:$0x3FFB];
	_ =	sdelay $0x3  }
0x93: {  	_ =	strace s4  }
0x94: {  	s4 =	sld [smem:$0x3FFC];
	_ =	sdelay $0x3  }
0x95: {  	_ =	strace s4  }
0x96: {  	s4 =	sld [smem:$0x3FFD];
	_ =	sdelay $0x3  }
0x97: {  	_ =	strace s4  }
0x98: {  	_ =	strace $0x8FFFFFFF  }
0x99: {  	s19 =	sld [smem:$0x3FDB];
	_ =	sdelay $0x1  }
0x9a: {  	s5 =	simm.s32 $_scs_section_size  }
0x9b: {  	s6 =	simm.s32 $_size__tile_overlayer_lowered;
	s7 =	simm.s32 $_tile_overlayer_lowered  }
0x9c: {  	s22 =	simm.s32 $0x1BFF;
	s21 =	sshll.u32 s7, $0x1;
	s4 =	sadd.s32 s5, s19  }
0x9d: {  	s8 =	simm.s32 $0x0;
	s20 =	sshll.u32 s6, $0x1;
	s6 =	sadd.s32 s21, s4  }
0x9e: {  	[timem:s8], [sflag:s22] =	dma.local [hbm:s6], s20  }
0x9f: {  	_ =	swait.ge [sflag:s22], s20  }
0xa0: {  	s5 =	ssub.s32 $0x0, s20;
	[sflag:s22] =	ssyncset.done $0x0  }
0xa1: {  	[sflag:s22] =	ssyncadd.s32 s5;
	_ =	sdelay $0x1  }
0xa2: {  	s23 =	simm.s32 $0x1B8B  }
0xa3: {  	_ =	swait.ge [sflag:s23], $0x1  }
0xa4: {  	[sflag:s23] =	ssyncset.done $0x0  }
0xa5: {  	s25 =	simm.s32 $0x1B8E;
	s24 =	sld [smem:$0x3FFE];
	[sflag:s23] =	ssyncadd.s32 $0xFFFFFFFF  }
0xa6: {  	s26 =	simm.s32 $execute0_lowered;
	[smem:$0x3FD2] =	sst s25  }
0xa7: {  	s6 =	sshll.u32 s26, $0x1;
	_ =	strace $0x80000046;
	[dreg:$0x1] =	wrdreg $0xFFFFFFFF  }
0xa8: {  	s28 =	simm.s32 $_size_execute0_lowered;
	s4 =	sadd.s32 s4, s6;
	[dreg:$0x0] =	wrdreg $0x0  }
0xa9: {  	s6 =	sshll.u32 s28, $0x1;
	[dreg:$0x2] =	wrdreg s4  }
0xaa: {  	[dreg:$0x3] =	wrdreg s6  }
0xab: {  	[dreg:$0x4] =	wrdreg $0xC0  }
0xac: {  	_ =	task [dreg:s8], $0x5FFFF  }
0xad: {  	[dreg:$0x1] =	wrdreg $0xFFFFFFFF  }
0xae: {  	[dreg:$0x0] =	wrdreg $0x60  }
0xaf: {  	[dreg:$0x2] =	wrdreg s24  }
0xb0: {  	[dreg:$0x3] =	wrdreg s2  }
0xb1: {  	[dreg:$0x4] =	wrdreg s18  }
0xb2: {  	[dreg:$0x5] =	wrdreg $0x9  }
0xb3: {  	_ =	task.clear_ibuf [dreg:s8], $0x6FFFF;
	_ =	strace $0x90000046  }
0xb4: {  	s29 =	simm.s32 $0x9;
	_ =	strace $0x80000048  }
0xb5: {  	_ =	swait.ge [sflag:s29], $0x1  }
0xb6: {  	[sflag:s29] =	ssyncadd.s32 $0xFFFFFFFF  }
0xb7: {  	_ =	strace $0x90000048  }
0xb8: {  	_ =	sfence  }
0xb9: {  	s30 =	sld [smem:$0x0];
	_ =	sdelay $0x2  }
0xba: {  	s31 =	sshll.u32 s1, $0xD;
	s1 =	sshrl.u32 s1, $0x2  }
0xbb: {  	s3 =	sand.u32 $0x4000, s31;
	s1 =	sadd.s32 s1, s30  }
0xbc: {  	s0 =	sor.u32 s3, s0;
	s1 =	sshll.u32 s1, $0x11  }
0xbd: {  	s0 =	sor.u32 s1, s0  }
0xbe: {  	s0 =	sadd.s32 $0x8F2B, s0  }
0xbf: {  	[sflag:s0] =	ssyncadd.remote.s32 $0x1  }
0xc0: {  	_ =	sfence.sel $0xFFFF  }
0xc1: {  	[dreg:$0x0] =	wrdreg $0xFFFFFFFF;
	(pc) =	sbr.abs _section_cstart, $3  }
0xc2: {  	[dreg:$0x1] =	wrdreg $0xFFFFFFFF  }
0xc3: {  	_ =	task.clear_ibuf [dreg:s8], $0x2FFFF;
	_ =	strace $0x9FFFFFFF  }
0xc4: {  	(tm) =	ssettm $0x7FFFFFFF  }
0xc5: {  	_ =	shalt  }
tec
execute0_lowered:
.L_overlay_start_1:
0x0: {  	(tag) =	ssettag $0x1  }
0x1: {  	s0 =	srdreg.scid;
	s1 =	rddreg [dreg:$0x0]  }
0x2: {  	s4 =	stileid.u32;
	s3 =	rddreg [dreg:$0x1]  }
0x3: {  	s6 =	simm.s32 $0x0;
	s29 =	simm.s32 $0x10C00;
	s31 =	simm.s32 $0x12800  }
0x4: {  	s28 =	simm.s32 $0x7;
	s30 =	simm.s32 $0x8;
	s15 =	simm.s32 $0xC  }
0x5: {  	s9 =	simm.s32 $0xF;
	s10 =	simm.s32 $0x10;
	s12 =	simm.s32 $0x0  }
0x6: {  	s0 =	sand.u32 $0x1, s0;
	s2 =	sshll.u32 s4, $0x1;
	s5 =	smul.u32 $0x640000, s4  }
0x7: {  	[smem:$0x7FF] =	sst s6;
	s16 =	smul.u32 $0xC800, s4;
	s4 =	sadd.s32 $0x400, s1  }
0x8: {  	s6 =	simm.s32 $0xB;
	s7 =	ssub.s32 $0x2, s0;
	s8 =	smul.u32 $0x6400, s0  }
0x9: {  	s2 =	sor.u32 s0, s2;
	s0 =	smul.u32 $0x320000, s0;
	s17 =	sshrl.u32 s7, $0x1  }
0xa: {  	_ =	strace $0x80000047;
	s2 =	smul.u32 $0xC80, s2;
	s1 =	ssub.s32 s7, s17  }
0xb: {  	s18 =	sadd.s32 s8, s16;
	s0 =	sadd.s32 s0, s5;
	s16 =	simm.s32 $0x80  }
0xc: {  	s17 =	simm.s32 $0x6400;
	s5 =	simm.s32 $0xA;
	s2 =	sadd.s32 s3, s2  }
0xd: {  	s7 =	simm.s32 $0xD;
	s1 =	smax.u32 s1, $0x1;
	[dreg:$0x4] =	wrdreg s2  }
0xe: {  	s19 =	sshll.u32 s18, $0x4;
	s0 =	sshrl.u32 s0, $0x3;
	[dreg:$0x5] =	wrdreg s1  }
0xf: {  	s8 =	simm.s32 $0xE;
	[dreg:$0x6] =	wrdreg s0;
	s20 =	sor.u32 $0x3800, s19  }
0x10: {  	s18 =	simm.s32 $0x8000;
	s21 =	sor.u32 $0x3000, s19;
	[dreg:$0x7] =	wrdreg s20  }
0x11: {  	s3 =	simm.s32 $0x9;
	s22 =	sor.u32 $0x2800, s19;
	[dreg:$0x8] =	wrdreg s21  }
0x12: {  	s23 =	sor.u32 $0x2000, s19;
	s24 =	sor.u32 $0x1800, s19;
	[dreg:$0x9] =	wrdreg s22  }
0x13: {  	s25 =	sor.u32 $0x1000, s19;
	s26 =	sor.u32 $0x800, s19;
	[dreg:$0xa] =	wrdreg s23  }
.Ltmp0:
0x14: {  	s1 =	simm.s32 $0x1;
	[dreg:$0xb] =	wrdreg s24;
	(pc) =	sbr.rel .LBB2_1-.Ltmp0, $4  }
0x15: {  	s0 =	simm.s32 $0x38;
	s2 =	simm.s32 $0x2;
	[dreg:$0xc] =	wrdreg s25  }
0x16: {  	s19 =	simm.s32 $0x3;
	[dreg:$0xd] =	wrdreg s26;
	s20 =	simm.s32 $0x9C00  }
0x17: {  	s22 =	simm.s32 $0xB800;
	s24 =	simm.s32 $0xD400;
	s26 =	simm.s32 $0xF000  }
0x18: {  	s21 =	simm.s32 $0x4;
	s23 =	simm.s32 $0x5;
	s25 =	simm.s32 $0x6  }
.LBB2_4:
0x19: {  	_ =	swait.ge [sflag:s5], $0x1C00  }
0x1a: {  	[sflag:s5] =	ssyncset.done $0x0  }
0x1b: {  	[sflag:s5] =	ssyncadd.s32 $0xFFFFE400  }
0x1c: {  	_ =	swait.ge [sflag:s6], $0x1C00  }
0x1d: {  	[sflag:s6] =	ssyncset.done $0x0  }
0x1e: {  	[sflag:s6] =	ssyncadd.s32 $0xFFFFE400  }
0x1f: {  	_ =	swait.ge [sflag:s15], $0x1C00  }
0x20: {  	[sflag:s15] =	ssyncset.done $0x0  }
0x21: {  	[sflag:s15] =	ssyncadd.s32 $0xFFFFE400  }
0x22: {  	_ =	swait.ge [sflag:s7], $0x1C00  }
0x23: {  	[sflag:s7] =	ssyncset.done $0x0  }
0x24: {  	[sflag:s7] =	ssyncadd.s32 $0xFFFFE400  }
0x25: {  	_ =	swait.ge [sflag:s8], $0x1C00  }
0x26: {  	[sflag:s8] =	ssyncset.done $0x0  }
0x27: {  	[sflag:s8] =	ssyncadd.s32 $0xFFFFE400  }
0x28: {  	_ =	swait.ge [sflag:s9], $0x1C00  }
0x29: {  	[sflag:s9] =	ssyncset.done $0x0  }
0x2a: {  	[sflag:s9] =	ssyncadd.s32 $0xFFFFE400  }
0x2b: {  	_ =	swait.ge [sflag:s10], $0x1C00  }
0x2c: {  	s12 =	rddreg [dreg:$0xe]  }
0x2d: {  	s11 =	rddreg [dreg:$0x5];
	s12 =	sadd.s32 $0x1, s12  }
0x2e: {  	p0 =	sne.s32 s12, s11  }
.Ltmp1:
0x2f: {  	_ = 	snop;
	(pc) =	sbr.rel @!p0 .LBB2_5-.Ltmp1, $3  }
0x30: {  	_ =	sdelay $0x1  }
0x31: {  	[sflag:s10] =	ssyncset.done $0x0  }
0x32: {  	[sflag:s10] =	ssyncadd.s32 $0xFFFFE400  }
.LBB2_1:
0x33: {  	[dreg:$0xe] =	wrdreg s12  }
0x34: {  	s11 =	simm.s32 $0x0;
	s13 =	rddreg [dreg:$0x4];
	s14 =	simm.s32 $0x11  }
0x35: {  	[tilespmem:s11], [sflag:$0x11] =	stream.linear.gather [hbm4b:s13+s11], $0x6400, $0x38;
	[tilespmem:$0x14400] =	vst v63  }
0x36: {  	_ =	swait.ge [sflag:s14], $0x6400  }
0x37: {  	[sflag:s14] =	ssyncset.done $0x0  }
0x38: {  	[sflag:s14] =	ssyncadd.s32 $0xFFFF9C00  }
0x39: {  	[tilespmem:s17], [sflag:$0x1] =	stream.indirect.gather [hbm4b:s4+s16], $0x38, s11, s16, $0xb8;
	[tilespmem:$0x14400] =	vst v63  }
0x3a: {  	_ = 	snop  }
0x3b: {  	[tilespmem:s18], [sflag:$0x2] =	stream.indirect.gather [hbm4b:s4+s16], $0x38, s16, s16, $0xb8;
	[tilespmem:$0x14400] =	vst v63  }
0x3c: {  	s12 =	simm.s32 $0x100  }
0x3d: {  	[tilespmem:s20], [sflag:$0x3] =	stream.indirect.gather [hbm4b:s4+s16], $0x38, s12, s16, $0xb8;
	[tilespmem:$0x14400] =	vst v63  }
0x3e: {  	s13 =	simm.s32 $0x180  }
0x3f: {  	[tilespmem:s22], [sflag:$0x4] =	stream.indirect.gather [hbm4b:s4+s16], $0x38, s13, s16, $0xb8;
	[tilespmem:$0x14400] =	vst v63  }
0x40: {  	s14 =	simm.s32 $0x200  }
0x41: {  	[tilespmem:s24], [sflag:$0x5] =	stream.indirect.gather [hbm4b:s4+s16], $0x38, s14, s16, $0xb8;
	[tilespmem:$0x14400] =	vst v63  }
0x42: {  	s12 =	simm.s32 $0x280  }
0x43: {  	[tilespmem:s26], [sflag:$0x6] =	stream.indirect.gather [hbm4b:s4+s16], $0x38, s12, s16, $0xb8;
	[tilespmem:$0x14400] =	vst v63  }
0x44: {  	s13 =	simm.s32 $0x300  }
0x45: {  	[tilespmem:s29], [sflag:$0x7] =	stream.indirect.gather [hbm4b:s4+s16], $0x38, s13, s16, $0xb8;
	[tilespmem:$0x14400] =	vst v63  }
0x46: {  	s11 =	rddreg [dreg:$0x2];
	s14 =	simm.s32 $0x380;
	s12 =	simm.s32 $0x0  }
0x47: {  	[tilespmem:s31], [sflag:$0x8] =	stream.indirect.gather [hbm4b:s4+s16], $0x38, s14, s16, $0xb8;
	[tilespmem:$0x14400] =	vst v63  }
.LBB2_2:
0x48: {  	_ =	swait.ge [sflag:s1], $0x1C00  }
0x49: {  	[sflag:s1] =	ssyncset.done $0x0;
	s13 =	rddreg [dreg:$0x6]  }
0x4a: {  	[sflag:s1] =	ssyncadd.s32 $0xFFFFE400;
	s13 =	sadd.s32 s11, s13  }
0x4b: {  	[hbm4b:s13+s0] =	stream.strided.scatter [tilespmem:s17], [sflag:$0x9], $0x1C00, s16, s0, $0x38;
	[tilespmem:$0x14400] =	vst v63  }
0x4c: {  	_ =	swait.ge [sflag:s2], $0x1C00  }
0x4d: {  	[sflag:s2] =	ssyncset.done $0x0;
	s14 =	rddreg [dreg:$0xd]  }
0x4e: {  	[sflag:s2] =	ssyncadd.s32 $0xFFFFE400;
	s13 =	sadd.s32 s11, s14  }
0x4f: {  	[hbm4b:s13+s0] =	stream.strided.scatter [tilespmem:s18], [sflag:$0xA], $0x1C00, s16, s0, $0x38;
	[tilespmem:$0x14400] =	vst v63  }
0x50: {  	_ =	swait.ge [sflag:s19], $0x1C00  }
0x51: {  	[sflag:s19] =	ssyncset.done $0x0;
	s14 =	rddreg [dreg:$0xc]  }
0x52: {  	[sflag:s19] =	ssyncadd.s32 $0xFFFFE400;
	s13 =	sadd.s32 s11, s14  }
0x53: {  	[hbm4b:s13+s0] =	stream.strided.scatter [tilespmem:s20], [sflag:$0xB], $0x1C00, s16, s0, $0x38;
	[tilespmem:$0x14400] =	vst v63  }
0x54: {  	_ =	swait.ge [sflag:s21], $0x1C00  }
0x55: {  	[sflag:s21] =	ssyncset.done $0x0;
	s14 =	rddreg [dreg:$0xb]  }
0x56: {  	[sflag:s21] =	ssyncadd.s32 $0xFFFFE400;
	s13 =	sadd.s32 s11, s14  }
0x57: {  	[hbm4b:s13+s0] =	stream.strided.scatter [tilespmem:s22], [sflag:$0xC], $0x1C00, s16, s0, $0x38;
	[tilespmem:$0x14400] =	vst v63  }
0x58: {  	_ =	swait.ge [sflag:s23], $0x1C00  }
0x59: {  	[sflag:s23] =	ssyncset.done $0x0;
	s14 =	rddreg [dreg:$0xa]  }
0x5a: {  	[sflag:s23] =	ssyncadd.s32 $0xFFFFE400;
	s13 =	sadd.s32 s11, s14  }
0x5b: {  	[hbm4b:s13+s0] =	stream.strided.scatter [tilespmem:s24], [sflag:$0xD], $0x1C00, s16, s0, $0x38;
	[tilespmem:$0x14400] =	vst v63  }
0x5c: {  	_ =	swait.ge [sflag:s25], $0x1C00  }
0x5d: {  	[sflag:s25] =	ssyncset.done $0x0;
	s14 =	rddreg [dreg:$0x9]  }
0x5e: {  	[sflag:s25] =	ssyncadd.s32 $0xFFFFE400;
	s13 =	sadd.s32 s11, s14  }
0x5f: {  	[hbm4b:s13+s0] =	stream.strided.scatter [tilespmem:s26], [sflag:$0xE], $0x1C00, s16, s0, $0x38;
	[tilespmem:$0x14400] =	vst v63  }
0x60: {  	_ =	swait.ge [sflag:s28], $0x1C00  }
0x61: {  	[sflag:s28] =	ssyncset.done $0x0;
	s14 =	rddreg [dreg:$0x8]  }
0x62: {  	[sflag:s28] =	ssyncadd.s32 $0xFFFFE400;
	s13 =	sadd.s32 s11, s14  }
0x63: {  	[hbm4b:s13+s0] =	stream.strided.scatter [tilespmem:s29], [sflag:$0xF], $0x1C00, s16, s0, $0x38;
	[tilespmem:$0x14400] =	vst v63  }
0x64: {  	_ =	swait.ge [sflag:s30], $0x1C00  }
0x65: {  	p0 =	seq.s32 s12, $0x18000;
	[sflag:s30] =	ssyncset.done $0x0;
	s14 =	rddreg [dreg:$0x7]  }
.Ltmp2:
0x66: {  	[sflag:s30] =	ssyncadd.s32 $0xFFFFE400;
	s13 =	sadd.s32 s11, s14;
	(pc) =	sbr.rel @p0 .LBB2_4-.Ltmp2, $4  }
0x67: {  	[hbm4b:s13+s0] =	stream.strided.scatter [tilespmem:s31], [sflag:$0x10], $0x1C00, s16, s0, $0x38;
	[tilespmem:$0x14400] =	vst v63  }
0x68: {  	_ =	swait.ge [sflag:s3], $0x1C00  }
0x69: {  	[sflag:s3] =	ssyncset.done $0x0  }
0x6a: {  	[sflag:s3] =	ssyncadd.s32 $0xFFFFE400  }
0x6b: {  	s13 =	sshra.s32 s12, $0x2  }
0x6c: {  	s14 =	sadd.s32 $0x400, s13  }
0x6d: {  	[tilespmem:s17], [sflag:$0x1] =	stream.indirect.gather [hbm4b:s4+s16], $0x38, s14, s16, $0xb8;
	[tilespmem:$0x14400] =	vst v63  }
0x6e: {  	_ =	swait.ge [sflag:s5], $0x1C00  }
0x6f: {  	[sflag:s5] =	ssyncset.done $0x0  }
0x70: {  	s14 =	sadd.s32 $0x480, s13;
	[sflag:s5] =	ssyncadd.s32 $0xFFFFE400  }
0x71: {  	[tilespmem:s18], [sflag:$0x2] =	stream.indirect.gather [hbm4b:s4+s16], $0x38, s14, s16, $0xb8;
	[tilespmem:$0x14400] =	vst v63  }
0x72: {  	_ =	swait.ge [sflag:s6], $0x1C00  }
0x73: {  	[sflag:s6] =	ssyncset.done $0x0  }
0x74: {  	s14 =	sadd.s32 $0x500, s13;
	[sflag:s6] =	ssyncadd.s32 $0xFFFFE400  }
0x75: {  	[tilespmem:s20], [sflag:$0x3] =	stream.indirect.gather [hbm4b:s4+s16], $0x38, s14, s16, $0xb8;
	[tilespmem:$0x14400] =	vst v63  }
0x76: {  	_ =	swait.ge [sflag:s15], $0x1C00  }
0x77: {  	[sflag:s15] =	ssyncset.done $0x0  }
0x78: {  	s14 =	sadd.s32 $0x580, s13;
	[sflag:s15] =	ssyncadd.s32 $0xFFFFE400  }
0x79: {  	[tilespmem:s22], [sflag:$0x4] =	stream.indirect.gather [hbm4b:s4+s16], $0x38, s14, s16, $0xb8;
	[tilespmem:$0x14400] =	vst v63  }
0x7a: {  	_ =	swait.ge [sflag:s7], $0x1C00  }
0x7b: {  	[sflag:s7] =	ssyncset.done $0x0  }
0x7c: {  	s14 =	sadd.s32 $0x600, s13;
	[sflag:s7] =	ssyncadd.s32 $0xFFFFE400  }
0x7d: {  	[tilespmem:s24], [sflag:$0x5] =	stream.indirect.gather [hbm4b:s4+s16], $0x38, s14, s16, $0xb8;
	[tilespmem:$0x14400] =	vst v63  }
0x7e: {  	_ =	swait.ge [sflag:s8], $0x1C00  }
0x7f: {  	[sflag:s8] =	ssyncset.done $0x0  }
0x80: {  	s14 =	sadd.s32 $0x680, s13;
	[sflag:s8] =	ssyncadd.s32 $0xFFFFE400  }
0x81: {  	[tilespmem:s26], [sflag:$0x6] =	stream.indirect.gather [hbm4b:s4+s16], $0x38, s14, s16, $0xb8;
	[tilespmem:$0x14400] =	vst v63  }
0x82: {  	_ =	swait.ge [sflag:s9], $0x1C00  }
0x83: {  	[sflag:s9] =	ssyncset.done $0x0  }
0x84: {  	s14 =	sadd.s32 $0x700, s13;
	[sflag:s9] =	ssyncadd.s32 $0xFFFFE400  }
0x85: {  	[tilespmem:s29], [sflag:$0x7] =	stream.indirect.gather [hbm4b:s4+s16], $0x38, s14, s16, $0xb8;
	[tilespmem:$0x14400] =	vst v63  }
.Ltmp3:
0x86: {  	_ = 	snop;
	(pc) =	sbr.rel .LBB2_2-.Ltmp3, $4  }
0x87: {  	_ =	swait.ge [sflag:s10], $0x1C00  }
0x88: {  	s12 =	sadd.s32 $0x1000, s12;
	[sflag:s10] =	ssyncset.done $0x0  }
0x89: {  	s11 =	sadd.s32 $0x4000, s11;
	s13 =	sadd.s32 $0x780, s13;
	[sflag:s10] =	ssyncadd.s32 $0xFFFFE400  }
0x8a: {  	[tilespmem:s31], [sflag:$0x8] =	stream.indirect.gather [hbm4b:s4+s16], $0x38, s13, s16, $0xb8;
	[tilespmem:$0x14400] =	vst v63  }
.LBB2_5:
0x8b: {  	_ =	sfence.sel $0x180000  }
0x8c: {  	[bflag:$0x0] =	sbarrier.arrive $0xFFFF  }
0x8d: {  	_ =	strace $0x90000047  }
0x8e: {  	s0 =	stileid.u32;
	[bflag:$0x2] =	sbarrier.arrive $0xFFFF  }
0x8f: {  	p0 =	sne.s32 s0, $0x0;
	s0 =	rddreg [dreg:$0x3]  }
0x90: {  	s0 =	sadd.s32 @!p0 $0x100000, s0  }
0x91: {  	[sflag:s0] =	ssyncadd.tile.s32 @!p0 $0x1;
	_ =	shalt  }
.Lfunc_end2:
_tile_overlayer_lowered:
.L_overlay_start_2:
0x92: {  	(tag) =	ssettag $0x2  }
0x93: {  	s0 =	rddreg [dreg:$0x0];
	s2 =	stileid.u32  }
0x94: {  	s1 =	rddreg [dreg:$0x1];
	p0 =	sne.s32 s2, $0x0  }
0x95: {  	s3 =	rddreg [dreg:$0x2];
	[bflag:$0x3] =	sbarrier.arrive $0xFFFF;
	s2 =	simm.s32 @!p0 $0x1C11  }
0x96: {  	[timem:s3], [sflag:s2] =	dma.local @!p0 [hbm:s0], s1  }
0x97: {  	s0 =	simm.s32 @!p0 $0x11  }
0x98: {  	_ =	swait.ge @!p0 [sflag:s0], s1  }
0x99: {  	s1 =	ssub.s32 @!p0 $0x0, s1;
	[sflag:s0] =	ssyncset.done @!p0 $0x0  }
0x9a: {  	[sflag:s0] =	ssyncadd.s32 @!p0 s1  }
0x9b: {  	[bflag:$0x3] =	sbarrier.arrive $0xFFFF  }
0x9c: {  	_ =	shalt  }

</sc_bundles>
